<compile_context>
chip_gen: v7x
topology: tpu7x:2x2x1
jax: 0.10.2.dev20260603
libtpu: 0.0.44.dev20260713+nightly
codegen_flags: <defaults>
</compile_context>

<pallas_src>
import functools

import jax
import jax.numpy as jnp
from jax import lax
from jax.experimental import pallas as pl
from jax.experimental.pallas import tpu as pltpu
from jax.experimental.pallas import tpu_sc as plsc

EMB = 32
HID = 128
_PACK = HID // EMB

_FIRE = 128
_FPG = 8
_GROUP = _FIRE * _FPG
_CHUNK = _GROUP // _PACK


def _sc_gather(x2d, w):
    n = x2d.shape[0] * x2d.shape[1]
    info = plsc.get_sparse_core_info()
    nc, ns = info.num_cores, info.num_subcores
    nw = nc * ns
    per_w = n // nw
    groups = per_w // _GROUP

    mesh = plsc.VectorSubcoreMesh(core_axis_name="c", subcore_axis_name="s")

    @functools.partial(
        pl.kernel,
        mesh=mesh,
        out_type=jax.ShapeDtypeStruct((n // _PACK, HID), jnp.float32),
        scratch_types=[
            pltpu.VMEM((2, _FPG, _FIRE), jnp.int32),
            pltpu.VMEM((2, _GROUP, EMB), jnp.float32),
            pltpu.SemaphoreType.DMA,
            pltpu.SemaphoreType.DMA,
            pltpu.SemaphoreType.DMA,
        ],
        compiler_params=pltpu.CompilerParams(use_tc_tiling_on_sc=False),
    )
    def gather(x_hbm, w_hbm, out_hbm, idx_v, rows_v, sem_g, sem_i, sem_o):
        wid = lax.axis_index("s") * nc + lax.axis_index("c")
        row_base = wid * (per_w // _FIRE)
        out_base = wid * (per_w // _PACK)

        def fire_group(slot):
            for j in range(_FPG):
                pltpu.async_copy(
                    w_hbm.at[idx_v.at[slot, j]],
                    rows_v.at[slot, pl.ds(j * _FIRE, _FIRE)],
                    sem_g,
                )

        def store_copies(slot, g):
            return [
                (
                    rows_v.at[slot, pl.ds(c * _CHUNK, _CHUNK)],
                    out_hbm.at[
                        pl.ds(out_base + g * _CHUNK, _CHUNK),
                        pl.ds(c * EMB, EMB),
                    ],
                )
                for c in range(_PACK)
            ]

        pltpu.sync_copy(x_hbm.at[pl.ds(row_base, _FPG)], idx_v.at[0])
        fire_group(0)

        def body(g, carry):
            slot = lax.rem(g, 2)
            nslot = 1 - slot

            @pl.when(g + 1 < groups)
            def _():
                pltpu.async_copy(
                    x_hbm.at[pl.ds(row_base + (g + 1) * _FPG, _FPG)],
                    idx_v.at[nslot],
                    sem_i,
                )

            pltpu.make_async_copy(
                out_hbm.at[pl.ds(0, _GROUP), pl.ds(0, EMB)],
                rows_v.at[slot],
                sem_g,
            ).wait()

            @pl.when(g >= 1)
            def _():
                for src, dst in store_copies(nslot, 0):
                    pltpu.make_async_copy(src, dst, sem_o).wait()

            @pl.when(g + 1 < groups)
            def _():
                pltpu.make_async_copy(
                    x_hbm.at[pl.ds(row_base, _FPG)],
                    idx_v.at[nslot],
                    sem_i,
                ).wait()
                fire_group(nslot)

            for src, dst in store_copies(slot, g):
                pltpu.async_copy(src, dst, sem_o)
            return carry

        lax.fori_loop(0, groups, body, 0)

        for src, dst in store_copies((groups - 1) % 2, 0):
            pltpu.make_async_copy(src, dst, sem_o).wait()

    return gather(x2d, w)


def _tc_project(g4, m, b, l):
    bb = 16
    rows = bb * l
    nsteps = (b // bb) // _PACK

    def mm(g4_ref, m_ref, o_ref):
        for k in range(_PACK):
            acc = lax.dot_general(
                g4_ref[...],
                m_ref[k],
                (((1,), (0,)), ((), ())),
                preferred_element_type=jnp.float32,
            )
            o_ref[k] = acc.reshape(bb, l, HID)

    return pl.pallas_call(
        mm,
        grid=(nsteps,),
        in_specs=[
            pl.BlockSpec((rows, HID), lambda i: (i, 0)),
            pl.BlockSpec((_PACK, HID, HID), lambda i: (0, 0, 0)),
        ],
        out_specs=pl.BlockSpec((_PACK, bb, l, HID), lambda i: (0, i, 0, 0)),
        out_shape=jax.ShapeDtypeStruct((_PACK, b // _PACK, l, HID), jnp.float32),
    )(g4, m)


def kernel(x, W, We):
    b, l = x.shape
    n = b * l
    xf = x.reshape(-1).astype(jnp.int32)
    xp = (
        xf.reshape(_PACK, (n // _PACK) // _CHUNK, _CHUNK)
        .transpose(1, 0, 2)
        .reshape(n // _FIRE, _FIRE)
    )
    g4 = _sc_gather(xp, W)
    m = jnp.stack(
        [
            jnp.zeros((HID, HID), jnp.float32)
            .at[k * EMB:(k + 1) * EMB, :]
            .set(We.T)
            for k in range(_PACK)
        ]
    )
    out4 = _tc_project(g4, m, b, l)
    return out4.reshape(b, l, HID)

# --- scband reference (transcript-rebuilt; emitter-appended) ---
"""Pipeline reference for scband-factorized-embedding-1752346656950 (READ-ONLY COPY).

The authoritative reference and input builder live on the scoring server;
editing this copy changes nothing except your own understanding.
"""

import jax, jax.numpy as jnp
import numpy as np

VOCAB = 1000000
EMB = 32
HID = 128

def setup_inputs(seed: int = 0) -> dict:
    key = jax.random.key(seed)
    k1, k2, k3 = jax.random.split(key, 3)
    x = jax.random.randint(k1, (4096, 200), 0, VOCAB, dtype=jnp.int64 if jax.config.jax_enable_x64 else jnp.int32)
    stdv = 1.0 / np.sqrt(EMB)
    W = jax.random.uniform(k2, (VOCAB, EMB), dtype=jnp.float32, minval=-stdv, maxval=stdv)
    We = jax.random.uniform(k3, (HID, EMB), dtype=jnp.float32, minval=-stdv, maxval=stdv)
    return {"x": x, "W": W, "We": We}

def reference(x, W, We):
    # F.linear(W[x], We) == W[x] @ We.T
    gathered = jnp.take(W, x, axis=0)          # [B, L, EMB]
    out = jnp.einsum('ble,he->blh', gathered, We)  # [B, L, HID]
    return out

if __name__ == "__main__":
    import jax
    _d = setup_inputs()
    print(jax.jit(kernel)(*tuple(_d.values())))

</pallas_src>

<mosaic_0001>
#map = affine_map<(d0, d1) -> (0, 0)>
module attributes {stable_mosaic.version = 14 : i64} {
  func.func @gather(%arg0: i32, %arg1: i32, %arg2: memref<6400x128xi32, #tpu.memory_space<hbm>>, %arg3: memref<1000000x32xf32, #tpu.memory_space<hbm>>, %arg4: memref<204800x128xf32, #tpu.memory_space<hbm>>, %arg5: memref<2x8x128xi32, #tpu.memory_space<vmem>>, %arg6: memref<2x1024x32xf32, #tpu.memory_space<vmem>>, %arg7: memref<!tpu.dma_semaphore, #tpu.memory_space<semaphore_mem>>, %arg8: memref<!tpu.dma_semaphore, #tpu.memory_space<semaphore_mem>>, %arg9: memref<!tpu.dma_semaphore, #tpu.memory_space<semaphore_mem>>) attributes {dimension_semantics = [#tpu.dimension_semantics<core_parallel>, #tpu.dimension_semantics<subcore_parallel>], iteration_bounds = array<i64: 2, 16>, scalar_prefetch = 0 : i64, scratch_operands = 5 : i64, tpu.core_type = #tpu.core_type<sc_vector_subcore>, window_params = [{transform_indices = #map}, {transform_indices = #map}, {transform_indices = #map}]} {
    %mul3A = arith.constant 2 : i32
    %mul3A_0 = arith.muli %arg1, %mul3A : i32
    %add3A = arith.addi %mul3A_0, %arg0 : i32
    %mul3A_1 = arith.constant 200 : i32
    %mul3A_2 = arith.muli %add3A, %mul3A_1 : i32
    %mul3A_3 = arith.constant 6400 : i32
    %mul3A_4 = arith.muli %add3A, %mul3A_3 : i32
    %run_scoped3A = arith.constant 0 : i32
    "tpu.region"() ({
      %run_scoped3A_172 = tpu.sem_alloc : memref<!tpu.dma_semaphore, #tpu.memory_space<semaphore_mem>>
      %dma_start3A_173 = arith.constant 0 : i32
      %dma_start3A_174 = arith.constant 0 : i32
      %dma_start3A_175 = tpu.memref_slice %arg5[%run_scoped3A, %dma_start3A_173, %dma_start3A_174] : memref<2x8x128xi32, #tpu.memory_space<vmem>> -> memref<1x8x128xi32, #tpu.memory_space<vmem>>
      %dma_start3A_176 = tpu.memref_squeeze %dma_start3A_175 : memref<1x8x128xi32, #tpu.memory_space<vmem>> -> memref<8x128xi32, #tpu.memory_space<vmem>>
      %dma_start3A_177 = arith.constant 0 : i32
      %dma_start3A_178 = tpu.memref_slice %arg2[%mul3A_2, %dma_start3A_177] : memref<6400x128xi32, #tpu.memory_space<hbm>> -> memref<8x128xi32, #tpu.memory_space<hbm>>
      %dma_start3A_179 = arith.constant 0 : i32
      %dma_start3A_180 = arith.constant 0 : i32
      %dma_start3A_181 = tpu.memref_slice %arg5[%run_scoped3A, %dma_start3A_179, %dma_start3A_180] : memref<2x8x128xi32, #tpu.memory_space<vmem>> -> memref<1x8x128xi32, #tpu.memory_space<vmem>>
      %dma_start3A_182 = tpu.memref_squeeze %dma_start3A_181 : memref<1x8x128xi32, #tpu.memory_space<vmem>> -> memref<8x128xi32, #tpu.memory_space<vmem>>
      %dma_start3A_183 = arith.constant 0 : i32
      %dma_start3A_184 = tpu.memref_slice %arg2[%mul3A_2, %dma_start3A_183] : memref<6400x128xi32, #tpu.memory_space<hbm>> -> memref<8x128xi32, #tpu.memory_space<hbm>>
      tpu.enqueue_dma source(%dma_start3A_184 : memref<8x128xi32, #tpu.memory_space<hbm>>) target(%dma_start3A_182 : memref<8x128xi32, #tpu.memory_space<vmem>>) target_semaphore(%run_scoped3A_172 : memref<!tpu.dma_semaphore, #tpu.memory_space<semaphore_mem>>)
      %dma_wait3A_185 = arith.constant 0 : i32
      %dma_wait3A_186 = arith.constant 0 : i32
      %dma_wait3A_187 = tpu.memref_slice %arg5[%run_scoped3A, %dma_wait3A_185, %dma_wait3A_186] : memref<2x8x128xi32, #tpu.memory_space<vmem>> -> memref<1x8x128xi32, #tpu.memory_space<vmem>>
      %dma_wait3A_188 = tpu.memref_squeeze %dma_wait3A_187 : memref<1x8x128xi32, #tpu.memory_space<vmem>> -> memref<8x128xi32, #tpu.memory_space<vmem>>
      %dma_wait3A_189 = arith.constant 0 : i32
      %dma_wait3A_190 = tpu.memref_slice %arg2[%mul3A_2, %dma_wait3A_189] : memref<6400x128xi32, #tpu.memory_space<hbm>> -> memref<8x128xi32, #tpu.memory_space<hbm>>
      %dma_wait3A_191 = arith.constant 0 : i32
      %dma_wait3A_192 = arith.constant 0 : i32
      %dma_wait3A_193 = tpu.memref_slice %arg5[%run_scoped3A, %dma_wait3A_191, %dma_wait3A_192] : memref<2x8x128xi32, #tpu.memory_space<vmem>> -> memref<1x8x128xi32, #tpu.memory_space<vmem>>
      %dma_wait3A_194 = tpu.memref_squeeze %dma_wait3A_193 : memref<1x8x128xi32, #tpu.memory_space<vmem>> -> memref<8x128xi32, #tpu.memory_space<vmem>>
      %dma_wait3A_195 = arith.constant 0 : i32
      %dma_wait3A_196 = tpu.memref_slice %arg2[%mul3A_2, %dma_wait3A_195] : memref<6400x128xi32, #tpu.memory_space<hbm>> -> memref<8x128xi32, #tpu.memory_space<hbm>>
      tpu.wait_dma2 semaphore(%run_scoped3A_172 : memref<!tpu.dma_semaphore, #tpu.memory_space<semaphore_mem>>) src(%dma_wait3A_196 : memref<8x128xi32, #tpu.memory_space<hbm>>) dst(%dma_wait3A_194 : memref<8x128xi32, #tpu.memory_space<vmem>>)
      tpu.yield
    }) : () -> ()
    %dma_start3A = arith.constant 0 : i32
    %dma_start3A_5 = arith.constant 0 : i32
    %dma_start3A_6 = arith.constant 0 : i32
    %dma_start3A_7 = arith.constant 0 : i32
    %dma_start3A_8 = arith.constant 0 : i32
    %dma_start3A_9 = tpu.memref_slice %arg6[%dma_start3A_6, %dma_start3A_7, %dma_start3A_8] : memref<2x1024x32xf32, #tpu.memory_space<vmem>> -> memref<1x128x32xf32, #tpu.memory_space<vmem>>
    %dma_start3A_10 = tpu.memref_squeeze %dma_start3A_9 : memref<1x128x32xf32, #tpu.memory_space<vmem>> -> memref<128x32xf32, #tpu.memory_space<vmem>>
    %dma_start3A_11 = arith.constant 0 : i32
    %dma_start3A_12 = tpu.memref_slice %arg5[%dma_start3A, %dma_start3A_5, %dma_start3A_11] : memref<2x8x128xi32, #tpu.memory_space<vmem>> -> memref<1x1x128xi32, #tpu.memory_space<vmem>>
    %dma_start3A_13 = tpu.memref_squeeze %dma_start3A_12 : memref<1x1x128xi32, #tpu.memory_space<vmem>> -> memref<128xi32, #tpu.memory_space<vmem>>
    %dma_start3A_14 = arith.constant 0 : i32
    %dma_start3A_15 = arith.constant 0 : i32
    %dma_start3A_16 = tpu.memref_slice %arg3[%dma_start3A_14, %dma_start3A_15] : memref<1000000x32xf32, #tpu.memory_space<hbm>> -> memref<1000000x32xf32, #tpu.memory_space<hbm>>
    tpu.enqueue_indirect_dma source(%dma_start3A_16 : memref<1000000x32xf32, #tpu.memory_space<hbm>>) target(%dma_start3A_10 : memref<128x32xf32, #tpu.memory_space<vmem>>) offsets(%dma_start3A_13 : memref<128xi32, #tpu.memory_space<vmem>>) semaphore(%arg7 : memref<!tpu.dma_semaphore, #tpu.memory_space<semaphore_mem>>)
    %dma_start3A_17 = arith.constant 0 : i32
    %dma_start3A_18 = arith.constant 1 : i32
    %dma_start3A_19 = arith.constant 0 : i32
    %dma_start3A_20 = arith.constant 128 : i32
    %dma_start3A_21 = arith.constant 0 : i32
    %dma_start3A_22 = tpu.memref_slice %arg6[%dma_start3A_19, %dma_start3A_20, %dma_start3A_21] : memref<2x1024x32xf32, #tpu.memory_space<vmem>> -> memref<1x128x32xf32, #tpu.memory_space<vmem>>
    %dma_start3A_23 = tpu.memref_squeeze %dma_start3A_22 : memref<1x128x32xf32, #tpu.memory_space<vmem>> -> memref<128x32xf32, #tpu.memory_space<vmem>>
    %dma_start3A_24 = arith.constant 0 : i32
    %dma_start3A_25 = tpu.memref_slice %arg5[%dma_start3A_17, %dma_start3A_18, %dma_start3A_24] : memref<2x8x128xi32, #tpu.memory_space<vmem>> -> memref<1x1x128xi32, #tpu.memory_space<vmem>>
    %dma_start3A_26 = tpu.memref_squeeze %dma_start3A_25 : memref<1x1x128xi32, #tpu.memory_space<vmem>> -> memref<128xi32, #tpu.memory_space<vmem>>
    %dma_start3A_27 = arith.constant 0 : i32
    %dma_start3A_28 = arith.constant 0 : i32
    %dma_start3A_29 = tpu.memref_slice %arg3[%dma_start3A_27, %dma_start3A_28] : memref<1000000x32xf32, #tpu.memory_space<hbm>> -> memref<1000000x32xf32, #tpu.memory_space<hbm>>
    tpu.enqueue_indirect_dma source(%dma_start3A_29 : memref<1000000x32xf32, #tpu.memory_space<hbm>>) target(%dma_start3A_23 : memref<128x32xf32, #tpu.memory_space<vmem>>) offsets(%dma_start3A_26 : memref<128xi32, #tpu.memory_space<vmem>>) semaphore(%arg7 : memref<!tpu.dma_semaphore, #tpu.memory_space<semaphore_mem>>)
    %dma_start3A_30 = arith.constant 0 : i32
    %dma_start3A_31 = arith.constant 2 : i32
    %dma_start3A_32 = arith.constant 0 : i32
    %dma_start3A_33 = arith.constant 256 : i32
    %dma_start3A_34 = arith.constant 0 : i32
    %dma_start3A_35 = tpu.memref_slice %arg6[%dma_start3A_32, %dma_start3A_33, %dma_start3A_34] : memref<2x1024x32xf32, #tpu.memory_space<vmem>> -> memref<1x128x32xf32, #tpu.memory_space<vmem>>
    %dma_start3A_36 = tpu.memref_squeeze %dma_start3A_35 : memref<1x128x32xf32, #tpu.memory_space<vmem>> -> memref<128x32xf32, #tpu.memory_space<vmem>>
    %dma_start3A_37 = arith.constant 0 : i32
    %dma_start3A_38 = tpu.memref_slice %arg5[%dma_start3A_30, %dma_start3A_31, %dma_start3A_37] : memref<2x8x128xi32, #tpu.memory_space<vmem>> -> memref<1x1x128xi32, #tpu.memory_space<vmem>>
    %dma_start3A_39 = tpu.memref_squeeze %dma_start3A_38 : memref<1x1x128xi32, #tpu.memory_space<vmem>> -> memref<128xi32, #tpu.memory_space<vmem>>
    %dma_start3A_40 = arith.constant 0 : i32
    %dma_start3A_41 = arith.constant 0 : i32
    %dma_start3A_42 = tpu.memref_slice %arg3[%dma_start3A_40, %dma_start3A_41] : memref<1000000x32xf32, #tpu.memory_space<hbm>> -> memref<1000000x32xf32, #tpu.memory_space<hbm>>
    tpu.enqueue_indirect_dma source(%dma_start3A_42 : memref<1000000x32xf32, #tpu.memory_space<hbm>>) target(%dma_start3A_36 : memref<128x32xf32, #tpu.memory_space<vmem>>) offsets(%dma_start3A_39 : memref<128xi32, #tpu.memory_space<vmem>>) semaphore(%arg7 : memref<!tpu.dma_semaphore, #tpu.memory_space<semaphore_mem>>)
    %dma_start3A_43 = arith.constant 0 : i32
    %dma_start3A_44 = arith.constant 3 : i32
    %dma_start3A_45 = arith.constant 0 : i32
    %dma_start3A_46 = arith.constant 384 : i32
    %dma_start3A_47 = arith.constant 0 : i32
    %dma_start3A_48 = tpu.memref_slice %arg6[%dma_start3A_45, %dma_start3A_46, %dma_start3A_47] : memref<2x1024x32xf32, #tpu.memory_space<vmem>> -> memref<1x128x32xf32, #tpu.memory_space<vmem>>
    %dma_start3A_49 = tpu.memref_squeeze %dma_start3A_48 : memref<1x128x32xf32, #tpu.memory_space<vmem>> -> memref<128x32xf32, #tpu.memory_space<vmem>>
    %dma_start3A_50 = arith.constant 0 : i32
    %dma_start3A_51 = tpu.memref_slice %arg5[%dma_start3A_43, %dma_start3A_44, %dma_start3A_50] : memref<2x8x128xi32, #tpu.memory_space<vmem>> -> memref<1x1x128xi32, #tpu.memory_space<vmem>>
    %dma_start3A_52 = tpu.memref_squeeze %dma_start3A_51 : memref<1x1x128xi32, #tpu.memory_space<vmem>> -> memref<128xi32, #tpu.memory_space<vmem>>
    %dma_start3A_53 = arith.constant 0 : i32
    %dma_start3A_54 = arith.constant 0 : i32
    %dma_start3A_55 = tpu.memref_slice %arg3[%dma_start3A_53, %dma_start3A_54] : memref<1000000x32xf32, #tpu.memory_space<hbm>> -> memref<1000000x32xf32, #tpu.memory_space<hbm>>
    tpu.enqueue_indirect_dma source(%dma_start3A_55 : memref<1000000x32xf32, #tpu.memory_space<hbm>>) target(%dma_start3A_49 : memref<128x32xf32, #tpu.memory_space<vmem>>) offsets(%dma_start3A_52 : memref<128xi32, #tpu.memory_space<vmem>>) semaphore(%arg7 : memref<!tpu.dma_semaphore, #tpu.memory_space<semaphore_mem>>)
    %dma_start3A_56 = arith.constant 0 : i32
    %dma_start3A_57 = arith.constant 4 : i32
    %dma_start3A_58 = arith.constant 0 : i32
    %dma_start3A_59 = arith.constant 512 : i32
    %dma_start3A_60 = arith.constant 0 : i32
    %dma_start3A_61 = tpu.memref_slice %arg6[%dma_start3A_58, %dma_start3A_59, %dma_start3A_60] : memref<2x1024x32xf32, #tpu.memory_space<vmem>> -> memref<1x128x32xf32, #tpu.memory_space<vmem>>
    %dma_start3A_62 = tpu.memref_squeeze %dma_start3A_61 : memref<1x128x32xf32, #tpu.memory_space<vmem>> -> memref<128x32xf32, #tpu.memory_space<vmem>>
    %dma_start3A_63 = arith.constant 0 : i32
    %dma_start3A_64 = tpu.memref_slice %arg5[%dma_start3A_56, %dma_start3A_57, %dma_start3A_63] : memref<2x8x128xi32, #tpu.memory_space<vmem>> -> memref<1x1x128xi32, #tpu.memory_space<vmem>>
    %dma_start3A_65 = tpu.memref_squeeze %dma_start3A_64 : memref<1x1x128xi32, #tpu.memory_space<vmem>> -> memref<128xi32, #tpu.memory_space<vmem>>
    %dma_start3A_66 = arith.constant 0 : i32
    %dma_start3A_67 = arith.constant 0 : i32
    %dma_start3A_68 = tpu.memref_slice %arg3[%dma_start3A_66, %dma_start3A_67] : memref<1000000x32xf32, #tpu.memory_space<hbm>> -> memref<1000000x32xf32, #tpu.memory_space<hbm>>
    tpu.enqueue_indirect_dma source(%dma_start3A_68 : memref<1000000x32xf32, #tpu.memory_space<hbm>>) target(%dma_start3A_62 : memref<128x32xf32, #tpu.memory_space<vmem>>) offsets(%dma_start3A_65 : memref<128xi32, #tpu.memory_space<vmem>>) semaphore(%arg7 : memref<!tpu.dma_semaphore, #tpu.memory_space<semaphore_mem>>)
    %dma_start3A_69 = arith.constant 0 : i32
    %dma_start3A_70 = arith.constant 5 : i32
    %dma_start3A_71 = arith.constant 0 : i32
    %dma_start3A_72 = arith.constant 640 : i32
    %dma_start3A_73 = arith.constant 0 : i32
    %dma_start3A_74 = tpu.memref_slice %arg6[%dma_start3A_71, %dma_start3A_72, %dma_start3A_73] : memref<2x1024x32xf32, #tpu.memory_space<vmem>> -> memref<1x128x32xf32, #tpu.memory_space<vmem>>
    %dma_start3A_75 = tpu.memref_squeeze %dma_start3A_74 : memref<1x128x32xf32, #tpu.memory_space<vmem>> -> memref<128x32xf32, #tpu.memory_space<vmem>>
    %dma_start3A_76 = arith.constant 0 : i32
    %dma_start3A_77 = tpu.memref_slice %arg5[%dma_start3A_69, %dma_start3A_70, %dma_start3A_76] : memref<2x8x128xi32, #tpu.memory_space<vmem>> -> memref<1x1x128xi32, #tpu.memory_space<vmem>>
    %dma_start3A_78 = tpu.memref_squeeze %dma_start3A_77 : memref<1x1x128xi32, #tpu.memory_space<vmem>> -> memref<128xi32, #tpu.memory_space<vmem>>
    %dma_start3A_79 = arith.constant 0 : i32
    %dma_start3A_80 = arith.constant 0 : i32
    %dma_start3A_81 = tpu.memref_slice %arg3[%dma_start3A_79, %dma_start3A_80] : memref<1000000x32xf32, #tpu.memory_space<hbm>> -> memref<1000000x32xf32, #tpu.memory_space<hbm>>
    tpu.enqueue_indirect_dma source(%dma_start3A_81 : memref<1000000x32xf32, #tpu.memory_space<hbm>>) target(%dma_start3A_75 : memref<128x32xf32, #tpu.memory_space<vmem>>) offsets(%dma_start3A_78 : memref<128xi32, #tpu.memory_space<vmem>>) semaphore(%arg7 : memref<!tpu.dma_semaphore, #tpu.memory_space<semaphore_mem>>)
    %dma_start3A_82 = arith.constant 0 : i32
    %dma_start3A_83 = arith.constant 6 : i32
    %dma_start3A_84 = arith.constant 0 : i32
    %dma_start3A_85 = arith.constant 768 : i32
    %dma_start3A_86 = arith.constant 0 : i32
    %dma_start3A_87 = tpu.memref_slice %arg6[%dma_start3A_84, %dma_start3A_85, %dma_start3A_86] : memref<2x1024x32xf32, #tpu.memory_space<vmem>> -> memref<1x128x32xf32, #tpu.memory_space<vmem>>
    %dma_start3A_88 = tpu.memref_squeeze %dma_start3A_87 : memref<1x128x32xf32, #tpu.memory_space<vmem>> -> memref<128x32xf32, #tpu.memory_space<vmem>>
    %dma_start3A_89 = arith.constant 0 : i32
    %dma_start3A_90 = tpu.memref_slice %arg5[%dma_start3A_82, %dma_start3A_83, %dma_start3A_89] : memref<2x8x128xi32, #tpu.memory_space<vmem>> -> memref<1x1x128xi32, #tpu.memory_space<vmem>>
    %dma_start3A_91 = tpu.memref_squeeze %dma_start3A_90 : memref<1x1x128xi32, #tpu.memory_space<vmem>> -> memref<128xi32, #tpu.memory_space<vmem>>
    %dma_start3A_92 = arith.constant 0 : i32
    %dma_start3A_93 = arith.constant 0 : i32
    %dma_start3A_94 = tpu.memref_slice %arg3[%dma_start3A_92, %dma_start3A_93] : memref<1000000x32xf32, #tpu.memory_space<hbm>> -> memref<1000000x32xf32, #tpu.memory_space<hbm>>
    tpu.enqueue_indirect_dma source(%dma_start3A_94 : memref<1000000x32xf32, #tpu.memory_space<hbm>>) target(%dma_start3A_88 : memref<128x32xf32, #tpu.memory_space<vmem>>) offsets(%dma_start3A_91 : memref<128xi32, #tpu.memory_space<vmem>>) semaphore(%arg7 : memref<!tpu.dma_semaphore, #tpu.memory_space<semaphore_mem>>)
    %dma_start3A_95 = arith.constant 0 : i32
    %dma_start3A_96 = arith.constant 7 : i32
    %dma_start3A_97 = arith.constant 0 : i32
    %dma_start3A_98 = arith.constant 896 : i32
    %dma_start3A_99 = arith.constant 0 : i32
    %dma_start3A_100 = tpu.memref_slice %arg6[%dma_start3A_97, %dma_start3A_98, %dma_start3A_99] : memref<2x1024x32xf32, #tpu.memory_space<vmem>> -> memref<1x128x32xf32, #tpu.memory_space<vmem>>
    %dma_start3A_101 = tpu.memref_squeeze %dma_start3A_100 : memref<1x128x32xf32, #tpu.memory_space<vmem>> -> memref<128x32xf32, #tpu.memory_space<vmem>>
    %dma_start3A_102 = arith.constant 0 : i32
    %dma_start3A_103 = tpu.memref_slice %arg5[%dma_start3A_95, %dma_start3A_96, %dma_start3A_102] : memref<2x8x128xi32, #tpu.memory_space<vmem>> -> memref<1x1x128xi32, #tpu.memory_space<vmem>>
    %dma_start3A_104 = tpu.memref_squeeze %dma_start3A_103 : memref<1x1x128xi32, #tpu.memory_space<vmem>> -> memref<128xi32, #tpu.memory_space<vmem>>
    %dma_start3A_105 = arith.constant 0 : i32
    %dma_start3A_106 = arith.constant 0 : i32
    %dma_start3A_107 = tpu.memref_slice %arg3[%dma_start3A_105, %dma_start3A_106] : memref<1000000x32xf32, #tpu.memory_space<hbm>> -> memref<1000000x32xf32, #tpu.memory_space<hbm>>
    tpu.enqueue_indirect_dma source(%dma_start3A_107 : memref<1000000x32xf32, #tpu.memory_space<hbm>>) target(%dma_start3A_101 : memref<128x32xf32, #tpu.memory_space<vmem>>) offsets(%dma_start3A_104 : memref<128xi32, #tpu.memory_space<vmem>>) semaphore(%arg7 : memref<!tpu.dma_semaphore, #tpu.memory_space<semaphore_mem>>)
    %scan3A = arith.constant 0 : i32
    %scan3A_108 = arith.constant 0 : i32
    %scan3A_109 = arith.constant 25 : i32
    %scan3A_110 = arith.addi %scan3A_108, %scan3A_109 : i32
    %scan3A_111 = arith.constant 1 : i32
    scf.for %scan3A_172 = %scan3A_108 to %scan3A_110 step %scan3A_111  : i32 {
      %rem3A = arith.constant 2 : i32
      %rem3A_173 = arith.remsi %scan3A_172, %rem3A : i32
      %sub3A = arith.constant 1 : i32
      %sub3A_174 = arith.subi %sub3A, %rem3A_173 : i32
      %add3A_175 = arith.constant 1 : i32
      %add3A_176 = arith.addi %scan3A_172, %add3A_175 : i32
      %lt3A = arith.constant 25 : i32
      %lt3A_177 = arith.cmpi slt, %add3A_176, %lt3A : i32
      %convert_element_type3A = arith.extui %lt3A_177 : i1 to i32
      %cond3A = arith.constant 0 : i32
      %cond3A_178 = arith.cmpi ne, %convert_element_type3A, %cond3A : i32
      scf.if %cond3A_178 {
        %add3A_264 = arith.constant 1 : i32
        %add3A_265 = arith.addi %scan3A_172, %add3A_264 : i32
        %mul3A_266 = arith.constant 8 : i32
        %mul3A_267 = arith.muli %add3A_265, %mul3A_266 : i32
        %add3A_268 = arith.addi %mul3A_2, %mul3A_267 : i32
        %dma_start3A_269 = arith.constant 0 : i32
        %dma_start3A_270 = arith.constant 0 : i32
        %dma_start3A_271 = tpu.memref_slice %arg5[%sub3A_174, %dma_start3A_269, %dma_start3A_270] : memref<2x8x128xi32, #tpu.memory_space<vmem>> -> memref<1x8x128xi32, #tpu.memory_space<vmem>>
        %dma_start3A_272 = tpu.memref_squeeze %dma_start3A_271 : memref<1x8x128xi32, #tpu.memory_space<vmem>> -> memref<8x128xi32, #tpu.memory_space<vmem>>
        %dma_start3A_273 = arith.constant 0 : i32
        %dma_start3A_274 = tpu.memref_slice %arg2[%add3A_268, %dma_start3A_273] : memref<6400x128xi32, #tpu.memory_space<hbm>> -> memref<8x128xi32, #tpu.memory_space<hbm>>
        %dma_start3A_275 = arith.constant 0 : i32
        %dma_start3A_276 = arith.constant 0 : i32
        %dma_start3A_277 = tpu.memref_slice %arg5[%sub3A_174, %dma_start3A_275, %dma_start3A_276] : memref<2x8x128xi32, #tpu.memory_space<vmem>> -> memref<1x8x128xi32, #tpu.memory_space<vmem>>
        %dma_start3A_278 = tpu.memref_squeeze %dma_start3A_277 : memref<1x8x128xi32, #tpu.memory_space<vmem>> -> memref<8x128xi32, #tpu.memory_space<vmem>>
        %dma_start3A_279 = arith.constant 0 : i32
        %dma_start3A_280 = tpu.memref_slice %arg2[%add3A_268, %dma_start3A_279] : memref<6400x128xi32, #tpu.memory_space<hbm>> -> memref<8x128xi32, #tpu.memory_space<hbm>>
        tpu.enqueue_dma source(%dma_start3A_280 : memref<8x128xi32, #tpu.memory_space<hbm>>) target(%dma_start3A_278 : memref<8x128xi32, #tpu.memory_space<vmem>>) target_semaphore(%arg8 : memref<!tpu.dma_semaphore, #tpu.memory_space<semaphore_mem>>)
      } else {
      }
      %dma_wait3A_179 = arith.constant 0 : i32
      %dma_wait3A_180 = arith.constant 0 : i32
      %dma_wait3A_181 = tpu.memref_slice %arg6[%rem3A_173, %dma_wait3A_179, %dma_wait3A_180] : memref<2x1024x32xf32, #tpu.memory_space<vmem>> -> memref<1x1024x32xf32, #tpu.memory_space<vmem>>
      %dma_wait3A_182 = tpu.memref_squeeze %dma_wait3A_181 : memref<1x1024x32xf32, #tpu.memory_space<vmem>> -> memref<1024x32xf32, #tpu.memory_space<vmem>>
      %dma_wait3A_183 = arith.constant 0 : i32
      %dma_wait3A_184 = arith.constant 0 : i32
      %dma_wait3A_185 = tpu.memref_slice %arg4[%dma_wait3A_183, %dma_wait3A_184] : memref<204800x128xf32, #tpu.memory_space<hbm>> -> memref<1024x32xf32, #tpu.memory_space<hbm>>
      %dma_wait3A_186 = arith.constant 0 : i32
      %dma_wait3A_187 = arith.constant 0 : i32
      %dma_wait3A_188 = tpu.memref_slice %arg6[%rem3A_173, %dma_wait3A_186, %dma_wait3A_187] : memref<2x1024x32xf32, #tpu.memory_space<vmem>> -> memref<1x1024x32xf32, #tpu.memory_space<vmem>>
      %dma_wait3A_189 = tpu.memref_squeeze %dma_wait3A_188 : memref<1x1024x32xf32, #tpu.memory_space<vmem>> -> memref<1024x32xf32, #tpu.memory_space<vmem>>
      %dma_wait3A_190 = arith.constant 0 : i32
      %dma_wait3A_191 = arith.constant 0 : i32
      %dma_wait3A_192 = tpu.memref_slice %arg4[%dma_wait3A_190, %dma_wait3A_191] : memref<204800x128xf32, #tpu.memory_space<hbm>> -> memref<1024x32xf32, #tpu.memory_space<hbm>>
      tpu.wait_dma2 semaphore(%arg7 : memref<!tpu.dma_semaphore, #tpu.memory_space<semaphore_mem>>) src(%dma_wait3A_192 : memref<1024x32xf32, #tpu.memory_space<hbm>>) dst(%dma_wait3A_189 : memref<1024x32xf32, #tpu.memory_space<vmem>>)
      %ge3A = arith.constant 1 : i32
      %ge3A_193 = arith.cmpi sge, %scan3A_172, %ge3A : i32
      %convert_element_type3A_194 = arith.extui %ge3A_193 : i1 to i32
      %cond3A_195 = arith.constant 0 : i32
      %cond3A_196 = arith.cmpi ne, %convert_element_type3A_194, %cond3A_195 : i32
      scf.if %cond3A_196 {
        %add3A_264 = arith.constant 0 : i32
        %add3A_265 = arith.addi %mul3A_4, %add3A_264 : i32
        %add3A_266 = arith.constant 0 : i32
        %add3A_267 = arith.addi %mul3A_4, %add3A_266 : i32
        %add3A_268 = arith.constant 0 : i32
        %add3A_269 = arith.addi %mul3A_4, %add3A_268 : i32
        %add3A_270 = arith.constant 0 : i32
        %add3A_271 = arith.addi %mul3A_4, %add3A_270 : i32
        %dma_wait3A_272 = arith.constant 0 : i32
        %dma_wait3A_273 = arith.constant 0 : i32
        %dma_wait3A_274 = tpu.memref_slice %arg6[%sub3A_174, %dma_wait3A_272, %dma_wait3A_273] : memref<2x1024x32xf32, #tpu.memory_space<vmem>> -> memref<1x256x32xf32, #tpu.memory_space<vmem>>
        %dma_wait3A_275 = tpu.memref_squeeze %dma_wait3A_274 : memref<1x256x32xf32, #tpu.memory_space<vmem>> -> memref<256x32xf32, #tpu.memory_space<vmem>>
        %dma_wait3A_276 = arith.constant 0 : i32
        %dma_wait3A_277 = tpu.memref_slice %arg4[%add3A_265, %dma_wait3A_276] : memref<204800x128xf32, #tpu.memory_space<hbm>> -> memref<256x32xf32, #tpu.memory_space<hbm>>
        %dma_wait3A_278 = arith.constant 0 : i32
        %dma_wait3A_279 = tpu.memref_slice %arg4[%add3A_265, %dma_wait3A_278] : memref<204800x128xf32, #tpu.memory_space<hbm>> -> memref<256x32xf32, #tpu.memory_space<hbm>>
        %dma_wait3A_280 = arith.constant 0 : i32
        %dma_wait3A_281 = arith.constant 0 : i32
        %dma_wait3A_282 = tpu.memref_slice %arg6[%sub3A_174, %dma_wait3A_280, %dma_wait3A_281] : memref<2x1024x32xf32, #tpu.memory_space<vmem>> -> memref<1x256x32xf32, #tpu.memory_space<vmem>>
        %dma_wait3A_283 = tpu.memref_squeeze %dma_wait3A_282 : memref<1x256x32xf32, #tpu.memory_space<vmem>> -> memref<256x32xf32, #tpu.memory_space<vmem>>
        tpu.wait_dma2 semaphore(%arg9 : memref<!tpu.dma_semaphore, #tpu.memory_space<semaphore_mem>>) src(%dma_wait3A_283 : memref<256x32xf32, #tpu.memory_space<vmem>>) dst(%dma_wait3A_279 : memref<256x32xf32, #tpu.memory_space<hbm>>)
        %dma_wait3A_284 = arith.constant 256 : i32
        %dma_wait3A_285 = arith.constant 0 : i32
        %dma_wait3A_286 = tpu.memref_slice %arg6[%sub3A_174, %dma_wait3A_284, %dma_wait3A_285] : memref<2x1024x32xf32, #tpu.memory_space<vmem>> -> memref<1x256x32xf32, #tpu.memory_space<vmem>>
        %dma_wait3A_287 = tpu.memref_squeeze %dma_wait3A_286 : memref<1x256x32xf32, #tpu.memory_space<vmem>> -> memref<256x32xf32, #tpu.memory_space<vmem>>
        %dma_wait3A_288 = arith.constant 32 : i32
        %dma_wait3A_289 = tpu.memref_slice %arg4[%add3A_267, %dma_wait3A_288] : memref<204800x128xf32, #tpu.memory_space<hbm>> -> memref<256x32xf32, #tpu.memory_space<hbm>>
        %dma_wait3A_290 = arith.constant 32 : i32
        %dma_wait3A_291 = tpu.memref_slice %arg4[%add3A_267, %dma_wait3A_290] : memref<204800x128xf32, #tpu.memory_space<hbm>> -> memref<256x32xf32, #tpu.memory_space<hbm>>
        %dma_wait3A_292 = arith.constant 256 : i32
        %dma_wait3A_293 = arith.constant 0 : i32
        %dma_wait3A_294 = tpu.memref_slice %arg6[%sub3A_174, %dma_wait3A_292, %dma_wait3A_293] : memref<2x1024x32xf32, #tpu.memory_space<vmem>> -> memref<1x256x32xf32, #tpu.memory_space<vmem>>
        %dma_wait3A_295 = tpu.memref_squeeze %dma_wait3A_294 : memref<1x256x32xf32, #tpu.memory_space<vmem>> -> memref<256x32xf32, #tpu.memory_space<vmem>>
        tpu.wait_dma2 semaphore(%arg9 : memref<!tpu.dma_semaphore, #tpu.memory_space<semaphore_mem>>) src(%dma_wait3A_295 : memref<256x32xf32, #tpu.memory_space<vmem>>) dst(%dma_wait3A_291 : memref<256x32xf32, #tpu.memory_space<hbm>>)
        %dma_wait3A_296 = arith.constant 512 : i32
        %dma_wait3A_297 = arith.constant 0 : i32
        %dma_wait3A_298 = tpu.memref_slice %arg6[%sub3A_174, %dma_wait3A_296, %dma_wait3A_297] : memref<2x1024x32xf32, #tpu.memory_space<vmem>> -> memref<1x256x32xf32, #tpu.memory_space<vmem>>
        %dma_wait3A_299 = tpu.memref_squeeze %dma_wait3A_298 : memref<1x256x32xf32, #tpu.memory_space<vmem>> -> memref<256x32xf32, #tpu.memory_space<vmem>>
        %dma_wait3A_300 = arith.constant 64 : i32
        %dma_wait3A_301 = tpu.memref_slice %arg4[%add3A_269, %dma_wait3A_300] : memref<204800x128xf32, #tpu.memory_space<hbm>> -> memref<256x32xf32, #tpu.memory_space<hbm>>
        %dma_wait3A_302 = arith.constant 64 : i32
        %dma_wait3A_303 = tpu.memref_slice %arg4[%add3A_269, %dma_wait3A_302] : memref<204800x128xf32, #tpu.memory_space<hbm>> -> memref<256x32xf32, #tpu.memory_space<hbm>>
        %dma_wait3A_304 = arith.constant 512 : i32
        %dma_wait3A_305 = arith.constant 0 : i32
        %dma_wait3A_306 = tpu.memref_slice %arg6[%sub3A_174, %dma_wait3A_304, %dma_wait3A_305] : memref<2x1024x32xf32, #tpu.memory_space<vmem>> -> memref<1x256x32xf32, #tpu.memory_space<vmem>>
        %dma_wait3A_307 = tpu.memref_squeeze %dma_wait3A_306 : memref<1x256x32xf32, #tpu.memory_space<vmem>> -> memref<256x32xf32, #tpu.memory_space<vmem>>
        tpu.wait_dma2 semaphore(%arg9 : memref<!tpu.dma_semaphore, #tpu.memory_space<semaphore_mem>>) src(%dma_wait3A_307 : memref<256x32xf32, #tpu.memory_space<vmem>>) dst(%dma_wait3A_303 : memref<256x32xf32, #tpu.memory_space<hbm>>)
        %dma_wait3A_308 = arith.constant 768 : i32
        %dma_wait3A_309 = arith.constant 0 : i32
        %dma_wait3A_310 = tpu.memref_slice %arg6[%sub3A_174, %dma_wait3A_308, %dma_wait3A_309] : memref<2x1024x32xf32, #tpu.memory_space<vmem>> -> memref<1x256x32xf32, #tpu.memory_space<vmem>>
        %dma_wait3A_311 = tpu.memref_squeeze %dma_wait3A_310 : memref<1x256x32xf32, #tpu.memory_space<vmem>> -> memref<256x32xf32, #tpu.memory_space<vmem>>
        %dma_wait3A_312 = arith.constant 96 : i32
        %dma_wait3A_313 = tpu.memref_slice %arg4[%add3A_271, %dma_wait3A_312] : memref<204800x128xf32, #tpu.memory_space<hbm>> -> memref<256x32xf32, #tpu.memory_space<hbm>>
        %dma_wait3A_314 = arith.constant 96 : i32
        %dma_wait3A_315 = tpu.memref_slice %arg4[%add3A_271, %dma_wait3A_314] : memref<204800x128xf32, #tpu.memory_space<hbm>> -> memref<256x32xf32, #tpu.memory_space<hbm>>
        %dma_wait3A_316 = arith.constant 768 : i32
        %dma_wait3A_317 = arith.constant 0 : i32
        %dma_wait3A_318 = tpu.memref_slice %arg6[%sub3A_174, %dma_wait3A_316, %dma_wait3A_317] : memref<2x1024x32xf32, #tpu.memory_space<vmem>> -> memref<1x256x32xf32, #tpu.memory_space<vmem>>
        %dma_wait3A_319 = tpu.memref_squeeze %dma_wait3A_318 : memref<1x256x32xf32, #tpu.memory_space<vmem>> -> memref<256x32xf32, #tpu.memory_space<vmem>>
        tpu.wait_dma2 semaphore(%arg9 : memref<!tpu.dma_semaphore, #tpu.memory_space<semaphore_mem>>) src(%dma_wait3A_319 : memref<256x32xf32, #tpu.memory_space<vmem>>) dst(%dma_wait3A_315 : memref<256x32xf32, #tpu.memory_space<hbm>>)
      } else {
      }
      %add3A_197 = arith.constant 1 : i32
      %add3A_198 = arith.addi %scan3A_172, %add3A_197 : i32
      %lt3A_199 = arith.constant 25 : i32
      %lt3A_200 = arith.cmpi slt, %add3A_198, %lt3A_199 : i32
      %convert_element_type3A_201 = arith.extui %lt3A_200 : i1 to i32
      %cond3A_202 = arith.constant 0 : i32
      %cond3A_203 = arith.cmpi ne, %convert_element_type3A_201, %cond3A_202 : i32
      scf.if %cond3A_203 {
        %dma_wait3A_264 = arith.constant 0 : i32
        %dma_wait3A_265 = arith.constant 0 : i32
        %dma_wait3A_266 = tpu.memref_slice %arg5[%sub3A_174, %dma_wait3A_264, %dma_wait3A_265] : memref<2x8x128xi32, #tpu.memory_space<vmem>> -> memref<1x8x128xi32, #tpu.memory_space<vmem>>
        %dma_wait3A_267 = tpu.memref_squeeze %dma_wait3A_266 : memref<1x8x128xi32, #tpu.memory_space<vmem>> -> memref<8x128xi32, #tpu.memory_space<vmem>>
        %dma_wait3A_268 = arith.constant 0 : i32
        %dma_wait3A_269 = tpu.memref_slice %arg2[%mul3A_2, %dma_wait3A_268] : memref<6400x128xi32, #tpu.memory_space<hbm>> -> memref<8x128xi32, #tpu.memory_space<hbm>>
        %dma_wait3A_270 = arith.constant 0 : i32
        %dma_wait3A_271 = arith.constant 0 : i32
        %dma_wait3A_272 = tpu.memref_slice %arg5[%sub3A_174, %dma_wait3A_270, %dma_wait3A_271] : memref<2x8x128xi32, #tpu.memory_space<vmem>> -> memref<1x8x128xi32, #tpu.memory_space<vmem>>
        %dma_wait3A_273 = tpu.memref_squeeze %dma_wait3A_272 : memref<1x8x128xi32, #tpu.memory_space<vmem>> -> memref<8x128xi32, #tpu.memory_space<vmem>>
        %dma_wait3A_274 = arith.constant 0 : i32
        %dma_wait3A_275 = tpu.memref_slice %arg2[%mul3A_2, %dma_wait3A_274] : memref<6400x128xi32, #tpu.memory_space<hbm>> -> memref<8x128xi32, #tpu.memory_space<hbm>>
        tpu.wait_dma2 semaphore(%arg8 : memref<!tpu.dma_semaphore, #tpu.memory_space<semaphore_mem>>) src(%dma_wait3A_275 : memref<8x128xi32, #tpu.memory_space<hbm>>) dst(%dma_wait3A_273 : memref<8x128xi32, #tpu.memory_space<vmem>>)
        %dma_start3A_276 = arith.constant 0 : i32
        %dma_start3A_277 = arith.constant 0 : i32
        %dma_start3A_278 = arith.constant 0 : i32
        %dma_start3A_279 = tpu.memref_slice %arg6[%sub3A_174, %dma_start3A_277, %dma_start3A_278] : memref<2x1024x32xf32, #tpu.memory_space<vmem>> -> memref<1x128x32xf32, #tpu.memory_space<vmem>>
        %dma_start3A_280 = tpu.memref_squeeze %dma_start3A_279 : memref<1x128x32xf32, #tpu.memory_space<vmem>> -> memref<128x32xf32, #tpu.memory_space<vmem>>
        %dma_start3A_281 = arith.constant 0 : i32
        %dma_start3A_282 = tpu.memref_slice %arg5[%sub3A_174, %dma_start3A_276, %dma_start3A_281] : memref<2x8x128xi32, #tpu.memory_space<vmem>> -> memref<1x1x128xi32, #tpu.memory_space<vmem>>
        %dma_start3A_283 = tpu.memref_squeeze %dma_start3A_282 : memref<1x1x128xi32, #tpu.memory_space<vmem>> -> memref<128xi32, #tpu.memory_space<vmem>>
        %dma_start3A_284 = arith.constant 0 : i32
        %dma_start3A_285 = arith.constant 0 : i32
        %dma_start3A_286 = tpu.memref_slice %arg3[%dma_start3A_284, %dma_start3A_285] : memref<1000000x32xf32, #tpu.memory_space<hbm>> -> memref<1000000x32xf32, #tpu.memory_space<hbm>>
        tpu.enqueue_indirect_dma source(%dma_start3A_286 : memref<1000000x32xf32, #tpu.memory_space<hbm>>) target(%dma_start3A_280 : memref<128x32xf32, #tpu.memory_space<vmem>>) offsets(%dma_start3A_283 : memref<128xi32, #tpu.memory_space<vmem>>) semaphore(%arg7 : memref<!tpu.dma_semaphore, #tpu.memory_space<semaphore_mem>>)
        %dma_start3A_287 = arith.constant 1 : i32
        %dma_start3A_288 = arith.constant 128 : i32
        %dma_start3A_289 = arith.constant 0 : i32
        %dma_start3A_290 = tpu.memref_slice %arg6[%sub3A_174, %dma_start3A_288, %dma_start3A_289] : memref<2x1024x32xf32, #tpu.memory_space<vmem>> -> memref<1x128x32xf32, #tpu.memory_space<vmem>>
        %dma_start3A_291 = tpu.memref_squeeze %dma_start3A_290 : memref<1x128x32xf32, #tpu.memory_space<vmem>> -> memref<128x32xf32, #tpu.memory_space<vmem>>
        %dma_start3A_292 = arith.constant 0 : i32
        %dma_start3A_293 = tpu.memref_slice %arg5[%sub3A_174, %dma_start3A_287, %dma_start3A_292] : memref<2x8x128xi32, #tpu.memory_space<vmem>> -> memref<1x1x128xi32, #tpu.memory_space<vmem>>
        %dma_start3A_294 = tpu.memref_squeeze %dma_start3A_293 : memref<1x1x128xi32, #tpu.memory_space<vmem>> -> memref<128xi32, #tpu.memory_space<vmem>>
        %dma_start3A_295 = arith.constant 0 : i32
        %dma_start3A_296 = arith.constant 0 : i32
        %dma_start3A_297 = tpu.memref_slice %arg3[%dma_start3A_295, %dma_start3A_296] : memref<1000000x32xf32, #tpu.memory_space<hbm>> -> memref<1000000x32xf32, #tpu.memory_space<hbm>>
        tpu.enqueue_indirect_dma source(%dma_start3A_297 : memref<1000000x32xf32, #tpu.memory_space<hbm>>) target(%dma_start3A_291 : memref<128x32xf32, #tpu.memory_space<vmem>>) offsets(%dma_start3A_294 : memref<128xi32, #tpu.memory_space<vmem>>) semaphore(%arg7 : memref<!tpu.dma_semaphore, #tpu.memory_space<semaphore_mem>>)
        %dma_start3A_298 = arith.constant 2 : i32
        %dma_start3A_299 = arith.constant 256 : i32
        %dma_start3A_300 = arith.constant 0 : i32
        %dma_start3A_301 = tpu.memref_slice %arg6[%sub3A_174, %dma_start3A_299, %dma_start3A_300] : memref<2x1024x32xf32, #tpu.memory_space<vmem>> -> memref<1x128x32xf32, #tpu.memory_space<vmem>>
        %dma_start3A_302 = tpu.memref_squeeze %dma_start3A_301 : memref<1x128x32xf32, #tpu.memory_space<vmem>> -> memref<128x32xf32, #tpu.memory_space<vmem>>
        %dma_start3A_303 = arith.constant 0 : i32
        %dma_start3A_304 = tpu.memref_slice %arg5[%sub3A_174, %dma_start3A_298, %dma_start3A_303] : memref<2x8x128xi32, #tpu.memory_space<vmem>> -> memref<1x1x128xi32, #tpu.memory_space<vmem>>
        %dma_start3A_305 = tpu.memref_squeeze %dma_start3A_304 : memref<1x1x128xi32, #tpu.memory_space<vmem>> -> memref<128xi32, #tpu.memory_space<vmem>>
        %dma_start3A_306 = arith.constant 0 : i32
        %dma_start3A_307 = arith.constant 0 : i32
        %dma_start3A_308 = tpu.memref_slice %arg3[%dma_start3A_306, %dma_start3A_307] : memref<1000000x32xf32, #tpu.memory_space<hbm>> -> memref<1000000x32xf32, #tpu.memory_space<hbm>>
        tpu.enqueue_indirect_dma source(%dma_start3A_308 : memref<1000000x32xf32, #tpu.memory_space<hbm>>) target(%dma_start3A_302 : memref<128x32xf32, #tpu.memory_space<vmem>>) offsets(%dma_start3A_305 : memref<128xi32, #tpu.memory_space<vmem>>) semaphore(%arg7 : memref<!tpu.dma_semaphore, #tpu.memory_space<semaphore_mem>>)
        %dma_start3A_309 = arith.constant 3 : i32
        %dma_start3A_310 = arith.constant 384 : i32
        %dma_start3A_311 = arith.constant 0 : i32
        %dma_start3A_312 = tpu.memref_slice %arg6[%sub3A_174, %dma_start3A_310, %dma_start3A_311] : memref<2x1024x32xf32, #tpu.memory_space<vmem>> -> memref<1x128x32xf32, #tpu.memory_space<vmem>>
        %dma_start3A_313 = tpu.memref_squeeze %dma_start3A_312 : memref<1x128x32xf32, #tpu.memory_space<vmem>> -> memref<128x32xf32, #tpu.memory_space<vmem>>
        %dma_start3A_314 = arith.constant 0 : i32
        %dma_start3A_315 = tpu.memref_slice %arg5[%sub3A_174, %dma_start3A_309, %dma_start3A_314] : memref<2x8x128xi32, #tpu.memory_space<vmem>> -> memref<1x1x128xi32, #tpu.memory_space<vmem>>
        %dma_start3A_316 = tpu.memref_squeeze %dma_start3A_315 : memref<1x1x128xi32, #tpu.memory_space<vmem>> -> memref<128xi32, #tpu.memory_space<vmem>>
        %dma_start3A_317 = arith.constant 0 : i32
        %dma_start3A_318 = arith.constant 0 : i32
        %dma_start3A_319 = tpu.memref_slice %arg3[%dma_start3A_317, %dma_start3A_318] : memref<1000000x32xf32, #tpu.memory_space<hbm>> -> memref<1000000x32xf32, #tpu.memory_space<hbm>>
        tpu.enqueue_indirect_dma source(%dma_start3A_319 : memref<1000000x32xf32, #tpu.memory_space<hbm>>) target(%dma_start3A_313 : memref<128x32xf32, #tpu.memory_space<vmem>>) offsets(%dma_start3A_316 : memref<128xi32, #tpu.memory_space<vmem>>) semaphore(%arg7 : memref<!tpu.dma_semaphore, #tpu.memory_space<semaphore_mem>>)
        %dma_start3A_320 = arith.constant 4 : i32
        %dma_start3A_321 = arith.constant 512 : i32
        %dma_start3A_322 = arith.constant 0 : i32
        %dma_start3A_323 = tpu.memref_slice %arg6[%sub3A_174, %dma_start3A_321, %dma_start3A_322] : memref<2x1024x32xf32, #tpu.memory_space<vmem>> -> memref<1x128x32xf32, #tpu.memory_space<vmem>>
        %dma_start3A_324 = tpu.memref_squeeze %dma_start3A_323 : memref<1x128x32xf32, #tpu.memory_space<vmem>> -> memref<128x32xf32, #tpu.memory_space<vmem>>
        %dma_start3A_325 = arith.constant 0 : i32
        %dma_start3A_326 = tpu.memref_slice %arg5[%sub3A_174, %dma_start3A_320, %dma_start3A_325] : memref<2x8x128xi32, #tpu.memory_space<vmem>> -> memref<1x1x128xi32, #tpu.memory_space<vmem>>
        %dma_start3A_327 = tpu.memref_squeeze %dma_start3A_326 : memref<1x1x128xi32, #tpu.memory_space<vmem>> -> memref<128xi32, #tpu.memory_space<vmem>>
        %dma_start3A_328 = arith.constant 0 : i32
        %dma_start3A_329 = arith.constant 0 : i32
        %dma_start3A_330 = tpu.memref_slice %arg3[%dma_start3A_328, %dma_start3A_329] : memref<1000000x32xf32, #tpu.memory_space<hbm>> -> memref<1000000x32xf32, #tpu.memory_space<hbm>>
        tpu.enqueue_indirect_dma source(%dma_start3A_330 : memref<1000000x32xf32, #tpu.memory_space<hbm>>) target(%dma_start3A_324 : memref<128x32xf32, #tpu.memory_space<vmem>>) offsets(%dma_start3A_327 : memref<128xi32, #tpu.memory_space<vmem>>) semaphore(%arg7 : memref<!tpu.dma_semaphore, #tpu.memory_space<semaphore_mem>>)
        %dma_start3A_331 = arith.constant 5 : i32
        %dma_start3A_332 = arith.constant 640 : i32
        %dma_start3A_333 = arith.constant 0 : i32
        %dma_start3A_334 = tpu.memref_slice %arg6[%sub3A_174, %dma_start3A_332, %dma_start3A_333] : memref<2x1024x32xf32, #tpu.memory_space<vmem>> -> memref<1x128x32xf32, #tpu.memory_space<vmem>>
        %dma_start3A_335 = tpu.memref_squeeze %dma_start3A_334 : memref<1x128x32xf32, #tpu.memory_space<vmem>> -> memref<128x32xf32, #tpu.memory_space<vmem>>
        %dma_start3A_336 = arith.constant 0 : i32
        %dma_start3A_337 = tpu.memref_slice %arg5[%sub3A_174, %dma_start3A_331, %dma_start3A_336] : memref<2x8x128xi32, #tpu.memory_space<vmem>> -> memref<1x1x128xi32, #tpu.memory_space<vmem>>
        %dma_start3A_338 = tpu.memref_squeeze %dma_start3A_337 : memref<1x1x128xi32, #tpu.memory_space<vmem>> -> memref<128xi32, #tpu.memory_space<vmem>>
        %dma_start3A_339 = arith.constant 0 : i32
        %dma_start3A_340 = arith.constant 0 : i32
        %dma_start3A_341 = tpu.memref_slice %arg3[%dma_start3A_339, %dma_start3A_340] : memref<1000000x32xf32, #tpu.memory_space<hbm>> -> memref<1000000x32xf32, #tpu.memory_space<hbm>>
        tpu.enqueue_indirect_dma source(%dma_start3A_341 : memref<1000000x32xf32, #tpu.memory_space<hbm>>) target(%dma_start3A_335 : memref<128x32xf32, #tpu.memory_space<vmem>>) offsets(%dma_start3A_338 : memref<128xi32, #tpu.memory_space<vmem>>) semaphore(%arg7 : memref<!tpu.dma_semaphore, #tpu.memory_space<semaphore_mem>>)
        %dma_start3A_342 = arith.constant 6 : i32
        %dma_start3A_343 = arith.constant 768 : i32
        %dma_start3A_344 = arith.constant 0 : i32
        %dma_start3A_345 = tpu.memref_slice %arg6[%sub3A_174, %dma_start3A_343, %dma_start3A_344] : memref<2x1024x32xf32, #tpu.memory_space<vmem>> -> memref<1x128x32xf32, #tpu.memory_space<vmem>>
        %dma_start3A_346 = tpu.memref_squeeze %dma_start3A_345 : memref<1x128x32xf32, #tpu.memory_space<vmem>> -> memref<128x32xf32, #tpu.memory_space<vmem>>
        %dma_start3A_347 = arith.constant 0 : i32
        %dma_start3A_348 = tpu.memref_slice %arg5[%sub3A_174, %dma_start3A_342, %dma_start3A_347] : memref<2x8x128xi32, #tpu.memory_space<vmem>> -> memref<1x1x128xi32, #tpu.memory_space<vmem>>
        %dma_start3A_349 = tpu.memref_squeeze %dma_start3A_348 : memref<1x1x128xi32, #tpu.memory_space<vmem>> -> memref<128xi32, #tpu.memory_space<vmem>>
        %dma_start3A_350 = arith.constant 0 : i32
        %dma_start3A_351 = arith.constant 0 : i32
        %dma_start3A_352 = tpu.memref_slice %arg3[%dma_start3A_350, %dma_start3A_351] : memref<1000000x32xf32, #tpu.memory_space<hbm>> -> memref<1000000x32xf32, #tpu.memory_space<hbm>>
        tpu.enqueue_indirect_dma source(%dma_start3A_352 : memref<1000000x32xf32, #tpu.memory_space<hbm>>) target(%dma_start3A_346 : memref<128x32xf32, #tpu.memory_space<vmem>>) offsets(%dma_start3A_349 : memref<128xi32, #tpu.memory_space<vmem>>) semaphore(%arg7 : memref<!tpu.dma_semaphore, #tpu.memory_space<semaphore_mem>>)
        %dma_start3A_353 = arith.constant 7 : i32
        %dma_start3A_354 = arith.constant 896 : i32
        %dma_start3A_355 = arith.constant 0 : i32
        %dma_start3A_356 = tpu.memref_slice %arg6[%sub3A_174, %dma_start3A_354, %dma_start3A_355] : memref<2x1024x32xf32, #tpu.memory_space<vmem>> -> memref<1x128x32xf32, #tpu.memory_space<vmem>>
        %dma_start3A_357 = tpu.memref_squeeze %dma_start3A_356 : memref<1x128x32xf32, #tpu.memory_space<vmem>> -> memref<128x32xf32, #tpu.memory_space<vmem>>
        %dma_start3A_358 = arith.constant 0 : i32
        %dma_start3A_359 = tpu.memref_slice %arg5[%sub3A_174, %dma_start3A_353, %dma_start3A_358] : memref<2x8x128xi32, #tpu.memory_space<vmem>> -> memref<1x1x128xi32, #tpu.memory_space<vmem>>
        %dma_start3A_360 = tpu.memref_squeeze %dma_start3A_359 : memref<1x1x128xi32, #tpu.memory_space<vmem>> -> memref<128xi32, #tpu.memory_space<vmem>>
        %dma_start3A_361 = arith.constant 0 : i32
        %dma_start3A_362 = arith.constant 0 : i32
        %dma_start3A_363 = tpu.memref_slice %arg3[%dma_start3A_361, %dma_start3A_362] : memref<1000000x32xf32, #tpu.memory_space<hbm>> -> memref<1000000x32xf32, #tpu.memory_space<hbm>>
        tpu.enqueue_indirect_dma source(%dma_start3A_363 : memref<1000000x32xf32, #tpu.memory_space<hbm>>) target(%dma_start3A_357 : memref<128x32xf32, #tpu.memory_space<vmem>>) offsets(%dma_start3A_360 : memref<128xi32, #tpu.memory_space<vmem>>) semaphore(%arg7 : memref<!tpu.dma_semaphore, #tpu.memory_space<semaphore_mem>>)
      } else {
      }
      %mul3A_204 = arith.constant 256 : i32
      %mul3A_205 = arith.muli %scan3A_172, %mul3A_204 : i32
      %add3A_206 = arith.addi %mul3A_4, %mul3A_205 : i32
      %mul3A_207 = arith.constant 256 : i32
      %mul3A_208 = arith.muli %scan3A_172, %mul3A_207 : i32
      %add3A_209 = arith.addi %mul3A_4, %mul3A_208 : i32
      %mul3A_210 = arith.constant 256 : i32
      %mul3A_211 = arith.muli %scan3A_172, %mul3A_210 : i32
      %add3A_212 = arith.addi %mul3A_4, %mul3A_211 : i32
      %mul3A_213 = arith.constant 256 : i32
      %mul3A_214 = arith.muli %scan3A_172, %mul3A_213 : i32
      %add3A_215 = arith.addi %mul3A_4, %mul3A_214 : i32
      %dma_start3A_216 = arith.constant 0 : i32
      %dma_start3A_217 = arith.constant 0 : i32
      %dma_start3A_218 = tpu.memref_slice %arg6[%rem3A_173, %dma_start3A_216, %dma_start3A_217] : memref<2x1024x32xf32, #tpu.memory_space<vmem>> -> memref<1x256x32xf32, #tpu.memory_space<vmem>>
      %dma_start3A_219 = tpu.memref_squeeze %dma_start3A_218 : memref<1x256x32xf32, #tpu.memory_space<vmem>> -> memref<256x32xf32, #tpu.memory_space<vmem>>
      %dma_start3A_220 = arith.constant 0 : i32
      %dma_start3A_221 = tpu.memref_slice %arg4[%add3A_206, %dma_start3A_220] : memref<204800x128xf32, #tpu.memory_space<hbm>> -> memref<256x32xf32, #tpu.memory_space<hbm>>
      %dma_start3A_222 = arith.constant 0 : i32
      %dma_start3A_223 = tpu.memref_slice %arg4[%add3A_206, %dma_start3A_222] : memref<204800x128xf32, #tpu.memory_space<hbm>> -> memref<256x32xf32, #tpu.memory_space<hbm>>
      %dma_start3A_224 = arith.constant 0 : i32
      %dma_start3A_225 = arith.constant 0 : i32
      %dma_start3A_226 = tpu.memref_slice %arg6[%rem3A_173, %dma_start3A_224, %dma_start3A_225] : memref<2x1024x32xf32, #tpu.memory_space<vmem>> -> memref<1x256x32xf32, #tpu.memory_space<vmem>>
      %dma_start3A_227 = tpu.memref_squeeze %dma_start3A_226 : memref<1x256x32xf32, #tpu.memory_space<vmem>> -> memref<256x32xf32, #tpu.memory_space<vmem>>
      tpu.enqueue_dma source(%dma_start3A_227 : memref<256x32xf32, #tpu.memory_space<vmem>>) target(%dma_start3A_223 : memref<256x32xf32, #tpu.memory_space<hbm>>) target_semaphore(%arg9 : memref<!tpu.dma_semaphore, #tpu.memory_space<semaphore_mem>>)
      %dma_start3A_228 = arith.constant 256 : i32
      %dma_start3A_229 = arith.constant 0 : i32
      %dma_start3A_230 = tpu.memref_slice %arg6[%rem3A_173, %dma_start3A_228, %dma_start3A_229] : memref<2x1024x32xf32, #tpu.memory_space<vmem>> -> memref<1x256x32xf32, #tpu.memory_space<vmem>>
      %dma_start3A_231 = tpu.memref_squeeze %dma_start3A_230 : memref<1x256x32xf32, #tpu.memory_space<vmem>> -> memref<256x32xf32, #tpu.memory_space<vmem>>
      %dma_start3A_232 = arith.constant 32 : i32
      %dma_start3A_233 = tpu.memref_slice %arg4[%add3A_209, %dma_start3A_232] : memref<204800x128xf32, #tpu.memory_space<hbm>> -> memref<256x32xf32, #tpu.memory_space<hbm>>
      %dma_start3A_234 = arith.constant 32 : i32
      %dma_start3A_235 = tpu.memref_slice %arg4[%add3A_209, %dma_start3A_234] : memref<204800x128xf32, #tpu.memory_space<hbm>> -> memref<256x32xf32, #tpu.memory_space<hbm>>
      %dma_start3A_236 = arith.constant 256 : i32
      %dma_start3A_237 = arith.constant 0 : i32
      %dma_start3A_238 = tpu.memref_slice %arg6[%rem3A_173, %dma_start3A_236, %dma_start3A_237] : memref<2x1024x32xf32, #tpu.memory_space<vmem>> -> memref<1x256x32xf32, #tpu.memory_space<vmem>>
      %dma_start3A_239 = tpu.memref_squeeze %dma_start3A_238 : memref<1x256x32xf32, #tpu.memory_space<vmem>> -> memref<256x32xf32, #tpu.memory_space<vmem>>
      tpu.enqueue_dma source(%dma_start3A_239 : memref<256x32xf32, #tpu.memory_space<vmem>>) target(%dma_start3A_235 : memref<256x32xf32, #tpu.memory_space<hbm>>) target_semaphore(%arg9 : memref<!tpu.dma_semaphore, #tpu.memory_space<semaphore_mem>>)
      %dma_start3A_240 = arith.constant 512 : i32
      %dma_start3A_241 = arith.constant 0 : i32
      %dma_start3A_242 = tpu.memref_slice %arg6[%rem3A_173, %dma_start3A_240, %dma_start3A_241] : memref<2x1024x32xf32, #tpu.memory_space<vmem>> -> memref<1x256x32xf32, #tpu.memory_space<vmem>>
      %dma_start3A_243 = tpu.memref_squeeze %dma_start3A_242 : memref<1x256x32xf32, #tpu.memory_space<vmem>> -> memref<256x32xf32, #tpu.memory_space<vmem>>
      %dma_start3A_244 = arith.constant 64 : i32
      %dma_start3A_245 = tpu.memref_slice %arg4[%add3A_212, %dma_start3A_244] : memref<204800x128xf32, #tpu.memory_space<hbm>> -> memref<256x32xf32, #tpu.memory_space<hbm>>
      %dma_start3A_246 = arith.constant 64 : i32
      %dma_start3A_247 = tpu.memref_slice %arg4[%add3A_212, %dma_start3A_246] : memref<204800x128xf32, #tpu.memory_space<hbm>> -> memref<256x32xf32, #tpu.memory_space<hbm>>
      %dma_start3A_248 = arith.constant 512 : i32
      %dma_start3A_249 = arith.constant 0 : i32
      %dma_start3A_250 = tpu.memref_slice %arg6[%rem3A_173, %dma_start3A_248, %dma_start3A_249] : memref<2x1024x32xf32, #tpu.memory_space<vmem>> -> memref<1x256x32xf32, #tpu.memory_space<vmem>>
      %dma_start3A_251 = tpu.memref_squeeze %dma_start3A_250 : memref<1x256x32xf32, #tpu.memory_space<vmem>> -> memref<256x32xf32, #tpu.memory_space<vmem>>
      tpu.enqueue_dma source(%dma_start3A_251 : memref<256x32xf32, #tpu.memory_space<vmem>>) target(%dma_start3A_247 : memref<256x32xf32, #tpu.memory_space<hbm>>) target_semaphore(%arg9 : memref<!tpu.dma_semaphore, #tpu.memory_space<semaphore_mem>>)
      %dma_start3A_252 = arith.constant 768 : i32
      %dma_start3A_253 = arith.constant 0 : i32
      %dma_start3A_254 = tpu.memref_slice %arg6[%rem3A_173, %dma_start3A_252, %dma_start3A_253] : memref<2x1024x32xf32, #tpu.memory_space<vmem>> -> memref<1x256x32xf32, #tpu.memory_space<vmem>>
      %dma_start3A_255 = tpu.memref_squeeze %dma_start3A_254 : memref<1x256x32xf32, #tpu.memory_space<vmem>> -> memref<256x32xf32, #tpu.memory_space<vmem>>
      %dma_start3A_256 = arith.constant 96 : i32
      %dma_start3A_257 = tpu.memref_slice %arg4[%add3A_215, %dma_start3A_256] : memref<204800x128xf32, #tpu.memory_space<hbm>> -> memref<256x32xf32, #tpu.memory_space<hbm>>
      %dma_start3A_258 = arith.constant 96 : i32
      %dma_start3A_259 = tpu.memref_slice %arg4[%add3A_215, %dma_start3A_258] : memref<204800x128xf32, #tpu.memory_space<hbm>> -> memref<256x32xf32, #tpu.memory_space<hbm>>
      %dma_start3A_260 = arith.constant 768 : i32
      %dma_start3A_261 = arith.constant 0 : i32
      %dma_start3A_262 = tpu.memref_slice %arg6[%rem3A_173, %dma_start3A_260, %dma_start3A_261] : memref<2x1024x32xf32, #tpu.memory_space<vmem>> -> memref<1x256x32xf32, #tpu.memory_space<vmem>>
      %dma_start3A_263 = tpu.memref_squeeze %dma_start3A_262 : memref<1x256x32xf32, #tpu.memory_space<vmem>> -> memref<256x32xf32, #tpu.memory_space<vmem>>
      tpu.enqueue_dma source(%dma_start3A_263 : memref<256x32xf32, #tpu.memory_space<vmem>>) target(%dma_start3A_259 : memref<256x32xf32, #tpu.memory_space<hbm>>) target_semaphore(%arg9 : memref<!tpu.dma_semaphore, #tpu.memory_space<semaphore_mem>>)
    }
    %scan3A_112 = arith.constant 25 : i32
    %add3A_113 = arith.constant 0 : i32
    %add3A_114 = arith.addi %mul3A_4, %add3A_113 : i32
    %add3A_115 = arith.constant 0 : i32
    %add3A_116 = arith.addi %mul3A_4, %add3A_115 : i32
    %add3A_117 = arith.constant 0 : i32
    %add3A_118 = arith.addi %mul3A_4, %add3A_117 : i32
    %add3A_119 = arith.constant 0 : i32
    %add3A_120 = arith.addi %mul3A_4, %add3A_119 : i32
    %dma_wait3A = arith.constant 0 : i32
    %dma_wait3A_121 = arith.constant 0 : i32
    %dma_wait3A_122 = arith.constant 0 : i32
    %dma_wait3A_123 = tpu.memref_slice %arg6[%dma_wait3A, %dma_wait3A_121, %dma_wait3A_122] : memref<2x1024x32xf32, #tpu.memory_space<vmem>> -> memref<1x256x32xf32, #tpu.memory_space<vmem>>
    %dma_wait3A_124 = tpu.memref_squeeze %dma_wait3A_123 : memref<1x256x32xf32, #tpu.memory_space<vmem>> -> memref<256x32xf32, #tpu.memory_space<vmem>>
    %dma_wait3A_125 = arith.constant 0 : i32
    %dma_wait3A_126 = tpu.memref_slice %arg4[%add3A_114, %dma_wait3A_125] : memref<204800x128xf32, #tpu.memory_space<hbm>> -> memref<256x32xf32, #tpu.memory_space<hbm>>
    %dma_wait3A_127 = arith.constant 0 : i32
    %dma_wait3A_128 = tpu.memref_slice %arg4[%add3A_114, %dma_wait3A_127] : memref<204800x128xf32, #tpu.memory_space<hbm>> -> memref<256x32xf32, #tpu.memory_space<hbm>>
    %dma_wait3A_129 = arith.constant 0 : i32
    %dma_wait3A_130 = arith.constant 0 : i32
    %dma_wait3A_131 = tpu.memref_slice %arg6[%dma_wait3A, %dma_wait3A_129, %dma_wait3A_130] : memref<2x1024x32xf32, #tpu.memory_space<vmem>> -> memref<1x256x32xf32, #tpu.memory_space<vmem>>
    %dma_wait3A_132 = tpu.memref_squeeze %dma_wait3A_131 : memref<1x256x32xf32, #tpu.memory_space<vmem>> -> memref<256x32xf32, #tpu.memory_space<vmem>>
    tpu.wait_dma2 semaphore(%arg9 : memref<!tpu.dma_semaphore, #tpu.memory_space<semaphore_mem>>) src(%dma_wait3A_132 : memref<256x32xf32, #tpu.memory_space<vmem>>) dst(%dma_wait3A_128 : memref<256x32xf32, #tpu.memory_space<hbm>>)
    %dma_wait3A_133 = arith.constant 0 : i32
    %dma_wait3A_134 = arith.constant 256 : i32
    %dma_wait3A_135 = arith.constant 0 : i32
    %dma_wait3A_136 = tpu.memref_slice %arg6[%dma_wait3A_133, %dma_wait3A_134, %dma_wait3A_135] : memref<2x1024x32xf32, #tpu.memory_space<vmem>> -> memref<1x256x32xf32, #tpu.memory_space<vmem>>
    %dma_wait3A_137 = tpu.memref_squeeze %dma_wait3A_136 : memref<1x256x32xf32, #tpu.memory_space<vmem>> -> memref<256x32xf32, #tpu.memory_space<vmem>>
    %dma_wait3A_138 = arith.constant 32 : i32
    %dma_wait3A_139 = tpu.memref_slice %arg4[%add3A_116, %dma_wait3A_138] : memref<204800x128xf32, #tpu.memory_space<hbm>> -> memref<256x32xf32, #tpu.memory_space<hbm>>
    %dma_wait3A_140 = arith.constant 32 : i32
    %dma_wait3A_141 = tpu.memref_slice %arg4[%add3A_116, %dma_wait3A_140] : memref<204800x128xf32, #tpu.memory_space<hbm>> -> memref<256x32xf32, #tpu.memory_space<hbm>>
    %dma_wait3A_142 = arith.constant 256 : i32
    %dma_wait3A_143 = arith.constant 0 : i32
    %dma_wait3A_144 = tpu.memref_slice %arg6[%dma_wait3A_133, %dma_wait3A_142, %dma_wait3A_143] : memref<2x1024x32xf32, #tpu.memory_space<vmem>> -> memref<1x256x32xf32, #tpu.memory_space<vmem>>
    %dma_wait3A_145 = tpu.memref_squeeze %dma_wait3A_144 : memref<1x256x32xf32, #tpu.memory_space<vmem>> -> memref<256x32xf32, #tpu.memory_space<vmem>>
    tpu.wait_dma2 semaphore(%arg9 : memref<!tpu.dma_semaphore, #tpu.memory_space<semaphore_mem>>) src(%dma_wait3A_145 : memref<256x32xf32, #tpu.memory_space<vmem>>) dst(%dma_wait3A_141 : memref<256x32xf32, #tpu.memory_space<hbm>>)
    %dma_wait3A_146 = arith.constant 0 : i32
    %dma_wait3A_147 = arith.constant 512 : i32
    %dma_wait3A_148 = arith.constant 0 : i32
    %dma_wait3A_149 = tpu.memref_slice %arg6[%dma_wait3A_146, %dma_wait3A_147, %dma_wait3A_148] : memref<2x1024x32xf32, #tpu.memory_space<vmem>> -> memref<1x256x32xf32, #tpu.memory_space<vmem>>
    %dma_wait3A_150 = tpu.memref_squeeze %dma_wait3A_149 : memref<1x256x32xf32, #tpu.memory_space<vmem>> -> memref<256x32xf32, #tpu.memory_space<vmem>>
    %dma_wait3A_151 = arith.constant 64 : i32
    %dma_wait3A_152 = tpu.memref_slice %arg4[%add3A_118, %dma_wait3A_151] : memref<204800x128xf32, #tpu.memory_space<hbm>> -> memref<256x32xf32, #tpu.memory_space<hbm>>
    %dma_wait3A_153 = arith.constant 64 : i32
    %dma_wait3A_154 = tpu.memref_slice %arg4[%add3A_118, %dma_wait3A_153] : memref<204800x128xf32, #tpu.memory_space<hbm>> -> memref<256x32xf32, #tpu.memory_space<hbm>>
    %dma_wait3A_155 = arith.constant 512 : i32
    %dma_wait3A_156 = arith.constant 0 : i32
    %dma_wait3A_157 = tpu.memref_slice %arg6[%dma_wait3A_146, %dma_wait3A_155, %dma_wait3A_156] : memref<2x1024x32xf32, #tpu.memory_space<vmem>> -> memref<1x256x32xf32, #tpu.memory_space<vmem>>
    %dma_wait3A_158 = tpu.memref_squeeze %dma_wait3A_157 : memref<1x256x32xf32, #tpu.memory_space<vmem>> -> memref<256x32xf32, #tpu.memory_space<vmem>>
    tpu.wait_dma2 semaphore(%arg9 : memref<!tpu.dma_semaphore, #tpu.memory_space<semaphore_mem>>) src(%dma_wait3A_158 : memref<256x32xf32, #tpu.memory_space<vmem>>) dst(%dma_wait3A_154 : memref<256x32xf32, #tpu.memory_space<hbm>>)
    %dma_wait3A_159 = arith.constant 0 : i32
    %dma_wait3A_160 = arith.constant 768 : i32
    %dma_wait3A_161 = arith.constant 0 : i32
    %dma_wait3A_162 = tpu.memref_slice %arg6[%dma_wait3A_159, %dma_wait3A_160, %dma_wait3A_161] : memref<2x1024x32xf32, #tpu.memory_space<vmem>> -> memref<1x256x32xf32, #tpu.memory_space<vmem>>
    %dma_wait3A_163 = tpu.memref_squeeze %dma_wait3A_162 : memref<1x256x32xf32, #tpu.memory_space<vmem>> -> memref<256x32xf32, #tpu.memory_space<vmem>>
    %dma_wait3A_164 = arith.constant 96 : i32
    %dma_wait3A_165 = tpu.memref_slice %arg4[%add3A_120, %dma_wait3A_164] : memref<204800x128xf32, #tpu.memory_space<hbm>> -> memref<256x32xf32, #tpu.memory_space<hbm>>
    %dma_wait3A_166 = arith.constant 96 : i32
    %dma_wait3A_167 = tpu.memref_slice %arg4[%add3A_120, %dma_wait3A_166] : memref<204800x128xf32, #tpu.memory_space<hbm>> -> memref<256x32xf32, #tpu.memory_space<hbm>>
    %dma_wait3A_168 = arith.constant 768 : i32
    %dma_wait3A_169 = arith.constant 0 : i32
    %dma_wait3A_170 = tpu.memref_slice %arg6[%dma_wait3A_159, %dma_wait3A_168, %dma_wait3A_169] : memref<2x1024x32xf32, #tpu.memory_space<vmem>> -> memref<1x256x32xf32, #tpu.memory_space<vmem>>
    %dma_wait3A_171 = tpu.memref_squeeze %dma_wait3A_170 : memref<1x256x32xf32, #tpu.memory_space<vmem>> -> memref<256x32xf32, #tpu.memory_space<vmem>>
    tpu.wait_dma2 semaphore(%arg9 : memref<!tpu.dma_semaphore, #tpu.memory_space<semaphore_mem>>) src(%dma_wait3A_171 : memref<256x32xf32, #tpu.memory_space<vmem>>) dst(%dma_wait3A_167 : memref<256x32xf32, #tpu.memory_space<hbm>>)
    return
  }
}

module attributes {stable_mosaic.version = 14 : i64} {
  func.func @mm(%arg0: i32, %arg1: memref<3200x128xf32, #tpu.memory_space<vmem>>, %arg2: memref<4x128x128xf32, #tpu.memory_space<vmem>>, %arg3: memref<4x16x200x128xf32, #tpu.memory_space<vmem>>) attributes {dimension_semantics = [#tpu.dimension_semantics<arbitrary>], iteration_bounds = array<i64: 64>, scalar_prefetch = 0 : i64, scratch_operands = 0 : i64, tpu.core_type = #tpu.core_type<tc>, window_params = [{transform_indices = @transform_0, window_bounds = array<i64: 3200, 128>}, {pipeline_mode = #tpu.pipeline_mode<synchronous>, transform_indices = @transform_1, window_bounds = array<i64: 4, 128, 128>}, {transform_indices = @transform_2, window_bounds = array<i64: 4, 16, 200, 128>}]} {
    %get3A = arith.constant 0 : index
    %get3A_0 = arith.constant 0 : index
    %get3A_1 = vector.load %arg1[%get3A, %get3A_0] : memref<3200x128xf32, #tpu.memory_space<vmem>>, vector<3200x128xf32>
    %get3A_2 = arith.constant 0 : index
    %get3A_3 = arith.constant 0 : index
    %get3A_4 = arith.constant 0 : index
    %get3A_5 = vector.load %arg2[%get3A_2, %get3A_3, %get3A_4] : memref<4x128x128xf32, #tpu.memory_space<vmem>>, vector<1x128x128xf32>
    %get3A_6 = vector.shape_cast %get3A_5 : vector<1x128x128xf32> to vector<128x128xf32>
    %dot_general3A = arith.constant dense<0.000000e+00> : vector<3200x128xf32>
    %dot_general3A_7 = tpu.matmul %get3A_1, %get3A_6, %dot_general3A {dimension_numbers = #tpu.dot_dimension_numbers<[1], [0], [0], [1], [0, 0, 1, 1], [], []>, transpose_lhs_hint = false} : vector<3200x128xf32>, vector<128x128xf32>, vector<3200x128xf32> -> vector<3200x128xf32>
    %reshape3A = vector.shape_cast %dot_general3A_7 : vector<3200x128xf32> to vector<16x200x128xf32>
    %swap3A = arith.constant 0 : index
    %swap3A_8 = arith.constant 0 : index
    %swap3A_9 = arith.constant 0 : index
    %swap3A_10 = arith.constant 0 : index
    %swap3A_11 = vector.load %arg3[%swap3A, %swap3A_8, %swap3A_9, %swap3A_10] : memref<4x16x200x128xf32, #tpu.memory_space<vmem>>, vector<1x16x200x128xf32>
    %swap3A_12 = vector.shape_cast %swap3A_11 : vector<1x16x200x128xf32> to vector<16x200x128xf32>
    %swap3A_13 = vector.shape_cast %reshape3A : vector<16x200x128xf32> to vector<1x16x200x128xf32>
    tpu.vector_store %arg3[%swap3A, %swap3A_8, %swap3A_9, %swap3A_10], %swap3A_13 {strides = array<i32>} : memref<4x16x200x128xf32, #tpu.memory_space<vmem>>, vector<1x16x200x128xf32>,
    %get3A_14 = arith.constant 0 : index
    %get3A_15 = arith.constant 0 : index
    %get3A_16 = vector.load %arg1[%get3A_14, %get3A_15] : memref<3200x128xf32, #tpu.memory_space<vmem>>, vector<3200x128xf32>
    %get3A_17 = arith.constant 1 : index
    %get3A_18 = arith.constant 0 : index
    %get3A_19 = arith.constant 0 : index
    %get3A_20 = vector.load %arg2[%get3A_17, %get3A_18, %get3A_19] : memref<4x128x128xf32, #tpu.memory_space<vmem>>, vector<1x128x128xf32>
    %get3A_21 = vector.shape_cast %get3A_20 : vector<1x128x128xf32> to vector<128x128xf32>
    %dot_general3A_22 = arith.constant dense<0.000000e+00> : vector<3200x128xf32>
    %dot_general3A_23 = tpu.matmul %get3A_16, %get3A_21, %dot_general3A_22 {dimension_numbers = #tpu.dot_dimension_numbers<[1], [0], [0], [1], [0, 0, 1, 1], [], []>, transpose_lhs_hint = false} : vector<3200x128xf32>, vector<128x128xf32>, vector<3200x128xf32> -> vector<3200x128xf32>
    %reshape3A_24 = vector.shape_cast %dot_general3A_23 : vector<3200x128xf32> to vector<16x200x128xf32>
    %swap3A_25 = arith.constant 1 : index
    %swap3A_26 = arith.constant 0 : index
    %swap3A_27 = arith.constant 0 : index
    %swap3A_28 = arith.constant 0 : index
    %swap3A_29 = vector.load %arg3[%swap3A_25, %swap3A_26, %swap3A_27, %swap3A_28] : memref<4x16x200x128xf32, #tpu.memory_space<vmem>>, vector<1x16x200x128xf32>
    %swap3A_30 = vector.shape_cast %swap3A_29 : vector<1x16x200x128xf32> to vector<16x200x128xf32>
    %swap3A_31 = vector.shape_cast %reshape3A_24 : vector<16x200x128xf32> to vector<1x16x200x128xf32>
    tpu.vector_store %arg3[%swap3A_25, %swap3A_26, %swap3A_27, %swap3A_28], %swap3A_31 {strides = array<i32>} : memref<4x16x200x128xf32, #tpu.memory_space<vmem>>, vector<1x16x200x128xf32>,
    %get3A_32 = arith.constant 0 : index
    %get3A_33 = arith.constant 0 : index
    %get3A_34 = vector.load %arg1[%get3A_32, %get3A_33] : memref<3200x128xf32, #tpu.memory_space<vmem>>, vector<3200x128xf32>
    %get3A_35 = arith.constant 2 : index
    %get3A_36 = arith.constant 0 : index
    %get3A_37 = arith.constant 0 : index
    %get3A_38 = vector.load %arg2[%get3A_35, %get3A_36, %get3A_37] : memref<4x128x128xf32, #tpu.memory_space<vmem>>, vector<1x128x128xf32>
    %get3A_39 = vector.shape_cast %get3A_38 : vector<1x128x128xf32> to vector<128x128xf32>
    %dot_general3A_40 = arith.constant dense<0.000000e+00> : vector<3200x128xf32>
    %dot_general3A_41 = tpu.matmul %get3A_34, %get3A_39, %dot_general3A_40 {dimension_numbers = #tpu.dot_dimension_numbers<[1], [0], [0], [1], [0, 0, 1, 1], [], []>, transpose_lhs_hint = false} : vector<3200x128xf32>, vector<128x128xf32>, vector<3200x128xf32> -> vector<3200x128xf32>
    %reshape3A_42 = vector.shape_cast %dot_general3A_41 : vector<3200x128xf32> to vector<16x200x128xf32>
    %swap3A_43 = arith.constant 2 : index
    %swap3A_44 = arith.constant 0 : index
    %swap3A_45 = arith.constant 0 : index
    %swap3A_46 = arith.constant 0 : index
    %swap3A_47 = vector.load %arg3[%swap3A_43, %swap3A_44, %swap3A_45, %swap3A_46] : memref<4x16x200x128xf32, #tpu.memory_space<vmem>>, vector<1x16x200x128xf32>
    %swap3A_48 = vector.shape_cast %swap3A_47 : vector<1x16x200x128xf32> to vector<16x200x128xf32>
    %swap3A_49 = vector.shape_cast %reshape3A_42 : vector<16x200x128xf32> to vector<1x16x200x128xf32>
    tpu.vector_store %arg3[%swap3A_43, %swap3A_44, %swap3A_45, %swap3A_46], %swap3A_49 {strides = array<i32>} : memref<4x16x200x128xf32, #tpu.memory_space<vmem>>, vector<1x16x200x128xf32>,
    %get3A_50 = arith.constant 0 : index
    %get3A_51 = arith.constant 0 : index
    %get3A_52 = vector.load %arg1[%get3A_50, %get3A_51] : memref<3200x128xf32, #tpu.memory_space<vmem>>, vector<3200x128xf32>
    %get3A_53 = arith.constant 3 : index
    %get3A_54 = arith.constant 0 : index
    %get3A_55 = arith.constant 0 : index
    %get3A_56 = vector.load %arg2[%get3A_53, %get3A_54, %get3A_55] : memref<4x128x128xf32, #tpu.memory_space<vmem>>, vector<1x128x128xf32>
    %get3A_57 = vector.shape_cast %get3A_56 : vector<1x128x128xf32> to vector<128x128xf32>
    %dot_general3A_58 = arith.constant dense<0.000000e+00> : vector<3200x128xf32>
    %dot_general3A_59 = tpu.matmul %get3A_52, %get3A_57, %dot_general3A_58 {dimension_numbers = #tpu.dot_dimension_numbers<[1], [0], [0], [1], [0, 0, 1, 1], [], []>, transpose_lhs_hint = false} : vector<3200x128xf32>, vector<128x128xf32>, vector<3200x128xf32> -> vector<3200x128xf32>
    %reshape3A_60 = vector.shape_cast %dot_general3A_59 : vector<3200x128xf32> to vector<16x200x128xf32>
    %swap3A_61 = arith.constant 3 : index
    %swap3A_62 = arith.constant 0 : index
    %swap3A_63 = arith.constant 0 : index
    %swap3A_64 = arith.constant 0 : index
    %swap3A_65 = vector.load %arg3[%swap3A_61, %swap3A_62, %swap3A_63, %swap3A_64] : memref<4x16x200x128xf32, #tpu.memory_space<vmem>>, vector<1x16x200x128xf32>
    %swap3A_66 = vector.shape_cast %swap3A_65 : vector<1x16x200x128xf32> to vector<16x200x128xf32>
    %swap3A_67 = vector.shape_cast %reshape3A_60 : vector<16x200x128xf32> to vector<1x16x200x128xf32>
    tpu.vector_store %arg3[%swap3A_61, %swap3A_62, %swap3A_63, %swap3A_64], %swap3A_67 {strides = array<i32>} : memref<4x16x200x128xf32, #tpu.memory_space<vmem>>, vector<1x16x200x128xf32>,
    return
  }
  func.func @transform_0(%arg0: i32) -> (i32, i32) {
    %c0_i32 = arith.constant 0 : i32
    %c0_i32_0 = arith.constant 0 : i32
    return %arg0, %c0_i32 : i32, i32
  }
  func.func @transform_1(%arg0: i32) -> (i32, i32, i32) {
    %c0_i32 = arith.constant 0 : i32
    %c0_i32_0 = arith.constant 0 : i32
    %c0_i32_1 = arith.constant 0 : i32
    %c0_i32_2 = arith.constant 0 : i32
    return %c0_i32, %c0_i32_0, %c0_i32_1 : i32, i32, i32
  }
  func.func @transform_2(%arg0: i32) -> (i32, i32, i32, i32) {
    %c0_i32 = arith.constant 0 : i32
    %c0_i32_0 = arith.constant 0 : i32
    %c0_i32_1 = arith.constant 0 : i32
    %c0_i32_2 = arith.constant 0 : i32
    return %c0_i32, %arg0, %c0_i32_0, %c0_i32_1 : i32, i32, i32, i32
  }
}

</mosaic_0001>

<sc_bundles>
// kernel: kernel.4.cloned.1.call-start
scs
__scs_entry_jumppad:
0x0: {  	(pc) =	sbr.rel $0x88, $3  }
0x1: {  	(tag) =	ssettag $0x0;
	lr =	simm.s32 $0x1  }
0x2: {  	[smem:$0x3F9E] =	sst lr;
	_ =	strace $0xD0000000  }
0x3: {  	_ = 	snop  }
0x4: {  	_ = 	snop  }
0x5: {  	_ = 	snop  }
0x6: {  	_ = 	snop  }
0x7: {  	_ = 	snop  }
__scs_overlays_trampoline_lowered:
0x8: {  	[smem:$0x3FAD] =	sst s0  }
0x9: {  	[smem:$0x3FAE] =	sst s1  }
0xa: {  	[smem:$0x3FAF] =	sst s2  }
0xb: {  	[smem:$0x3FB0] =	sst s3  }
0xc: {  	[smem:$0x3FB1] =	sst s4  }
0xd: {  	[smem:$0x3FB2] =	sst s5  }
0xe: {  	[smem:$0x3FB3] =	sst s6  }
0xf: {  	[smem:$0x3FB4] =	sst s7  }
0x10: {  	[smem:$0x3FB5] =	sst s8  }
0x11: {  	[smem:$0x3FB6] =	sst s9;
	s0 =	simm.s32 @!p0 $0x0  }
0x12: {  	s1 =	sld [smem:$0x3F9C];
	s0 =	simm.s32 @p0 $0x1  }
0x13: {  	[smem:$0x3FB7] =	sst s0;
	s0 =	simm.s32 @!p1 $0x0  }
0x14: {  	s2 =	sld [smem:$0x3F9B];
	s0 =	simm.s32 @p1 $0x1  }
0x15: {  	[smem:$0x3FB8] =	sst s0;
	s0 =	simm.s32 @!p2 $0x0  }
0x16: {  	s3 =	sld [smem:$0x3FDB];
	s0 =	simm.s32 @p2 $0x1  }
0x17: {  	s4 =	simm.s32 $0x1BF5;
	[smem:$0x3FBA] =	sst s0  }
0x18: {  	s0 =	sld [smem:$0x3F9D];
	_ =	swait.ge [sflag:s4], $0x0  }
0x19: {  	s7 =	sld [smem:$0x3F9E]  }
0x1a: {  	s8 =	sadd.s32 $0xFFFFE003, lr  }
0x1b: {  	s9 =	sadd.s32 $0xFFFFFEF7, lr;
	s5 =	simm.s32 $0xFFFFFFFF;
	p2 =	slt.u32 s8, $0xFFFFF086  }
0x1c: {  	p1 =	slt.u32 s9, $0xF7A;
	s5 =	simm.s32 @!p2 $0x0  }
0x1d: {  	s5 =	simm.s32 @p1 $0x1;
	p0 =	seq.s32 s7, s2  }
0x1e: {  	s7 =	smul.u32 @!p0 $0xF7A, s2;
	p2 =	seq.s32 @!p0 s5, $0x0  }
0x1f: {  	s9 =	smul.u32 $0xF7A, s1;
	s8 =	simm.s32 @!p0 $0x1BF5;
	p2 =	por !p2, p0  }
0x20: {  	[sflag:s8] =	ssyncset.s32 @!p0 $0xFFFFF086;
	s6 =	sadd.s32 @!p0 s3, s7;
	s7 =	simm.s32 @!p0 $0x108  }
0x21: {  	s3 =	sadd.s32 s3, s9;
	s6 =	sadd.s32 @!p0 $0x88, s6;
	s7 =	simm.s32 @p2 $0x1082  }
0x22: {  	[simem:s7], [sflag:s8] =	dma.local @!p0 [hbm:s6], $0xF7A  }
0x23: {  	s9 =	sor.u32 $0xD0000000, s2;
	s6 =	simm.s32 $0x108;
	_ =	swait.ge @!p0 [sflag:s8], $0x0  }
0x24: {  	s3 =	sadd.s32 $0x88, s3;
	s6 =	simm.s32 @!p1 $0x1082;
	[sflag:s4] =	ssyncset.s32 $0xFFFFF086  }
0x25: {  	[simem:s6], [sflag:s4] =	dma.local [hbm:s3], $0xF7A  }
0x26: {  	[smem:$0x3F9E] =	sst s1;
	(tag) =	ssettag s2;
	_ =	strace s9  }
0x27: {  	s1 =	sld [smem:$0x3FAE]  }
0x28: {  	s2 =	sld [smem:$0x3FAF]  }
0x29: {  	s4 =	sld [smem:$0x3FB1]  }
0x2a: {  	p0 =	seq.s32 s5, $0x0;
	s5 =	sld [smem:$0x3FB2]  }
0x2b: {  	s6 =	sld [smem:$0x3FB3]  }
0x2c: {  	s7 =	sld [smem:$0x3FB4]  }
0x2d: {  	s3 =	simm.s32 $0x108;
	s8 =	sld [smem:$0x3FB5]  }
0x2e: {  	s3 =	simm.s32 @!p0 $0x1082;
	s9 =	sld [smem:$0x3FB6]  }
0x2f: {  	lr =	sadd.s32 s0, s3;
	s0 =	sld [smem:$0x3FAD]  }
0x30: {  	s3 =	sld [smem:$0x3FB0]  }
0x31: {  	[smem:$0x3FB9] =	sst s10  }
0x32: {  	s10 =	sld [smem:$0x3FB7];
	_ =	sdelay $0x3  }
0x33: {  	p0 =	seq.s32 s10, $0x1;
	s10 =	sld [smem:$0x3FB9];
	_ =	sdelay $0x3  }
0x34: {  	[smem:$0x3FB9] =	sst s10  }
0x35: {  	s10 =	sld [smem:$0x3FB8];
	_ =	sdelay $0x3  }
0x36: {  	p1 =	seq.s32 s10, $0x1;
	s10 =	sld [smem:$0x3FB9];
	_ =	sdelay $0x3  }
0x37: {  	[smem:$0x3FB9] =	sst s10  }
0x38: {  	s10 =	sld [smem:$0x3FBA]  }
0x39: {  	_ = 	snop;
	(pc) =	sbr.ind lr, $3  }
0x3a: {  	_ = 	snop  }
0x3b: {  	_ = 	snop  }
0x3c: {  	p2 =	seq.s32 s10, $0x1;
	s10 =	sld [smem:$0x3FB9]  }
0x3d: {  	_ =	shalt  }
0x3e: {  	_ =	shalt  }
0x3f: {  	_ =	shalt  }
0x40: {  	_ =	shalt  }
0x41: {  	_ =	shalt  }
0x42: {  	_ =	shalt  }
0x43: {  	_ =	shalt  }
0x44: {  	_ =	shalt  }
0x45: {  	_ =	shalt  }
0x46: {  	_ =	shalt  }
0x47: {  	_ =	shalt  }
0x48: {  	_ =	shalt  }
0x49: {  	_ =	shalt  }
0x4a: {  	_ =	shalt  }
0x4b: {  	_ =	shalt  }
0x4c: {  	_ =	shalt  }
0x4d: {  	_ =	shalt  }
0x4e: {  	_ =	shalt  }
0x4f: {  	_ =	shalt  }
0x50: {  	_ =	shalt  }
0x51: {  	_ =	shalt  }
0x52: {  	_ =	shalt  }
0x53: {  	_ =	shalt  }
0x54: {  	_ =	shalt  }
0x55: {  	_ =	shalt  }
0x56: {  	_ =	shalt  }
0x57: {  	_ =	shalt  }
0x58: {  	_ =	shalt  }
0x59: {  	_ =	shalt  }
0x5a: {  	_ =	shalt  }
0x5b: {  	_ =	shalt  }
0x5c: {  	_ =	shalt  }
0x5d: {  	_ =	shalt  }
0x5e: {  	_ =	shalt  }
0x5f: {  	_ =	shalt  }
0x60: {  	_ =	shalt  }
0x61: {  	_ =	shalt  }
0x62: {  	_ =	shalt  }
0x63: {  	_ =	shalt  }
0x64: {  	_ =	shalt  }
0x65: {  	_ =	shalt  }
0x66: {  	_ =	shalt  }
0x67: {  	_ =	shalt  }
0x68: {  	_ =	shalt  }
0x69: {  	_ =	shalt  }
0x6a: {  	_ =	shalt  }
0x6b: {  	_ =	shalt  }
0x6c: {  	_ =	shalt  }
0x6d: {  	_ =	shalt  }
0x6e: {  	_ =	shalt  }
0x6f: {  	_ =	shalt  }
0x70: {  	_ =	shalt  }
0x71: {  	_ =	shalt  }
0x72: {  	_ =	shalt  }
0x73: {  	_ =	shalt  }
0x74: {  	_ =	shalt  }
0x75: {  	_ =	shalt  }
0x76: {  	_ =	shalt  }
0x77: {  	_ =	shalt  }
0x78: {  	_ =	shalt  }
0x79: {  	_ =	shalt  }
0x7a: {  	_ =	shalt  }
0x7b: {  	_ =	shalt  }
0x7c: {  	_ =	shalt  }
0x7d: {  	_ =	shalt  }
0x7e: {  	_ =	shalt  }
0x7f: {  	_ =	shalt  }
0x80: {  	_ =	shalt  }
0x81: {  	_ =	shalt  }
0x82: {  	_ =	shalt  }
0x83: {  	_ =	shalt  }
0x84: {  	_ =	shalt  }
0x85: {  	_ =	shalt  }
0x86: {  	_ =	shalt  }
0x87: {  	_ =	shalt  }
.Lfunc_end0:
.L_simem_size_0:
called_computation_lowered:
.L_overlay_start_0:
0x88: {  	s2 =	sld [smem:$0x3FD9]  }
0x89: {  	s3 =	sld [smem:$0x3FFE];
	_ =	sdelay $0x1  }
0x8a: {  	s1 =	srdreg.scid  }
0x8b: {  	s0 =	sand.u32 $0x1, s1  }
0x8c: {  	s17 =	sshll.u32 s0, $0xA;
	s2 =	sadd.s32 s3, s2  }
0x8d: {  	s2 =	sadd.s32 s2, s17  }
0x8e: {  	[smem:$0x3FC5] =	sst s2  }
0x8f: {  	_ = 	snop  }
0x90: {  	s2 =	sld [smem:$0x3FD0];
	(tm) =	ssettm $0x1  }
0x91: {  	s18 =	sld [smem:$0x3FFB];
	_ =	sdelay $0x3  }
0x92: {  	_ =	strace s18  }
0x93: {  	s3 =	sld [smem:$0x3FFC];
	_ =	sdelay $0x3  }
0x94: {  	_ =	strace s3  }
0x95: {  	s3 =	sld [smem:$0x3FFD];
	_ =	sdelay $0x3  }
0x96: {  	_ =	strace s3  }
0x97: {  	_ =	strace $0x8FFFFFFF  }
0x98: {  	s19 =	sld [smem:$0x3FDB];
	_ =	sdelay $0x1  }
0x99: {  	s4 =	simm.s32 $_scs_section_size  }
0x9a: {  	s5 =	simm.s32 $_size__tile_overlayer_lowered;
	s6 =	simm.s32 $_tile_overlayer_lowered  }
0x9b: {  	s22 =	simm.s32 $0x1BFF;
	s21 =	sshll.u32 s6, $0x1;
	s3 =	sadd.s32 s4, s19  }
0x9c: {  	s7 =	simm.s32 $0x0;
	s20 =	sshll.u32 s5, $0x1;
	s5 =	sadd.s32 s21, s3  }
0x9d: {  	[timem:s7], [sflag:s22] =	dma.local [hbm:s5], s20  }
0x9e: {  	_ =	swait.ge [sflag:s22], s20  }
0x9f: {  	s4 =	ssub.s32 $0x0, s20;
	[sflag:s22] =	ssyncset.done $0x0  }
0xa0: {  	[sflag:s22] =	ssyncadd.s32 s4;
	_ =	sdelay $0x1  }
0xa1: {  	s23 =	simm.s32 $0x1B8B  }
0xa2: {  	_ =	swait.ge [sflag:s23], $0x1  }
0xa3: {  	[sflag:s23] =	ssyncset.done $0x0  }
0xa4: {  	s25 =	simm.s32 $0x1B8E;
	s24 =	sld [smem:$0x3FFE];
	[sflag:s23] =	ssyncadd.s32 $0xFFFFFFFF  }
0xa5: {  	s26 =	simm.s32 $execute0_lowered;
	[smem:$0x3FD2] =	sst s25  }
0xa6: {  	s5 =	sshll.u32 s26, $0x1;
	_ =	strace $0x80000046;
	[dreg:$0x1] =	wrdreg $0xFFFFFFFF  }
0xa7: {  	s28 =	simm.s32 $_size_execute0_lowered;
	s3 =	sadd.s32 s3, s5;
	[dreg:$0x0] =	wrdreg $0x0  }
0xa8: {  	s5 =	sshll.u32 s28, $0x1;
	[dreg:$0x2] =	wrdreg s3  }
0xa9: {  	[dreg:$0x3] =	wrdreg s5  }
0xaa: {  	[dreg:$0x4] =	wrdreg $0xC0  }
0xab: {  	_ =	task [dreg:s7], $0x5FFFF  }
0xac: {  	[dreg:$0x1] =	wrdreg $0xFFFFFFFF  }
0xad: {  	[dreg:$0x0] =	wrdreg $0x60  }
0xae: {  	[dreg:$0x2] =	wrdreg s24  }
0xaf: {  	[dreg:$0x3] =	wrdreg s2  }
0xb0: {  	[dreg:$0x4] =	wrdreg $0x9  }
0xb1: {  	_ =	task.clear_ibuf [dreg:s7], $0x5FFFF;
	_ =	strace $0x90000046  }
0xb2: {  	s29 =	simm.s32 $0x9;
	_ =	strace $0x80000048  }
0xb3: {  	_ =	swait.ge [sflag:s29], $0x1  }
0xb4: {  	[sflag:s29] =	ssyncadd.s32 $0xFFFFFFFF  }
0xb5: {  	_ =	strace $0x90000048  }
0xb6: {  	_ =	sfence  }
0xb7: {  	s30 =	sld [smem:$0x0];
	_ =	sdelay $0x2  }
0xb8: {  	s31 =	sshll.u32 s1, $0xD;
	s1 =	sshrl.u32 s1, $0x2  }
0xb9: {  	s3 =	sand.u32 $0x4000, s31;
	s1 =	sadd.s32 s1, s30  }
0xba: {  	s0 =	sor.u32 s3, s0;
	s1 =	sshll.u32 s1, $0x11  }
0xbb: {  	s0 =	sor.u32 s1, s0  }
0xbc: {  	s0 =	sadd.s32 $0x8F2B, s0  }
0xbd: {  	[sflag:s0] =	ssyncadd.remote.s32 $0x1  }
0xbe: {  	_ =	sfence.sel $0xFFFF  }
0xbf: {  	[dreg:$0x0] =	wrdreg $0xFFFFFFFF;
	(pc) =	sbr.abs _section_cstart, $3  }
0xc0: {  	[dreg:$0x1] =	wrdreg $0xFFFFFFFF  }
0xc1: {  	_ =	task.clear_ibuf [dreg:s7], $0x2FFFF;
	_ =	strace $0x9FFFFFFF  }
0xc2: {  	(tm) =	ssettm $0x7FFFFFFF  }
0xc3: {  	_ =	shalt  }
tec
execute0_lowered:
.L_overlay_start_1:
0x0: {  	(tag) =	ssettag $0x1  }
0x1: {  	s0 =	rddreg [dreg:$0x0]  }
0x2: {  	s2 =	rddreg [dreg:$0x1]  }
0x3: {  	s1 =	srdreg.scid;
	s7 =	stileid.u32  }
0x4: {  	s3 =	simm.s32 $0x0;
	s9 =	simm.s32 $0x4;
	s10 =	simm.s32 $0x80  }
0x5: {  	s16 =	simm.s32 $0x3800;
	s17 =	simm.s32 $0x200;
	s18 =	simm.s32 $0x4800  }
0x6: {  	s19 =	simm.s32 $0x280;
	s20 =	simm.s32 $0x5800;
	s21 =	simm.s32 $0x300  }
0x7: {  	s22 =	simm.s32 $0x6800;
	s23 =	simm.s32 $0x380;
	s24 =	simm.s32 $0x7800  }
0x8: {  	s28 =	simm.s32 $0x3;
	s29 =	simm.s32 $0x2;
	s4 =	smul.u32 $0x190000, s7  }
0x9: {  	s30 =	simm.s32 $0x0;
	s1 =	sand.u32 $0x1, s1;
	s25 =	smul.u32 $0xC800, s7  }
0xa: {  	s5 =	sshll.u32 s7, $0x1;
	[smem:$0x7FF] =	sst s3;
	s6 =	smul.u32 $0xC8000, s1  }
0xb: {  	s5 =	sor.u32 s1, s5;
	s8 =	ssub.s32 $0x2, s1;
	s1 =	smul.u32 $0x6400, s1  }
0xc: {  	_ =	strace $0x80000047;
	s5 =	smul.u32 $0xC80, s5;
	s31 =	sshrl.u32 s8, $0x1  }
0xd: {  	s4 =	sadd.s32 s6, s4;
	s7 =	ssub.s32 s8, s31;
	s1 =	sadd.s32 s1, s25  }
0xe: {  	s25 =	simm.s32 $0x1;
	s26 =	sshrl.u32 s4, $0x3;
	s4 =	sadd.s32 $0x800, s0  }
0xf: {  	s6 =	smax.u32 s7, $0x1;
	s8 =	sadd.s32 $0x400, s1;
	s0 =	sadd.s32 s26, s0  }
0x10: {  	s5 =	sadd.s32 s4, s5;
	s26 =	simm.s32 $0x20;
	s7 =	sadd.s32 $0x19800, s0  }
.LBB2_1:
0x11: {  	[tilespmem:s3], [sflag:$0x4] =	stream.linear.gather [hbm4b:s5+s3], $0x400, $0x38;
	[tilespmem:$0x10800] =	vst v63  }
0x12: {  	_ =	swait.ge [sflag:s9], $0x400  }
0x13: {  	[sflag:s9] =	ssyncset.done $0x0  }
0x14: {  	s0 =	simm.s32 $0x800;
	[sflag:s9] =	ssyncadd.s32 $0xFFFFFC00  }
0x15: {  	[tilespmem:s0], [sflag:$0x1] =	stream.indirect.gather [hbm4b:s2+s10], $0x20, s3, s10, $0xb8;
	[tilespmem:$0x10800] =	vst v63  }
0x16: {  	s13 =	simm.s32 $0x1800  }
0x17: {  	[tilespmem:s13], [sflag:$0x1] =	stream.indirect.gather [hbm4b:s2+s10], $0x20, s10, s10, $0xb8;
	[tilespmem:$0x10800] =	vst v63  }
0x18: {  	s14 =	simm.s32 $0x100;
	s1 =	simm.s32 $0x2800  }
0x19: {  	[tilespmem:s1], [sflag:$0x1] =	stream.indirect.gather [hbm4b:s2+s10], $0x20, s14, s10, $0xb8;
	[tilespmem:$0x10800] =	vst v63  }
0x1a: {  	s15 =	simm.s32 $0x180  }
0x1b: {  	[tilespmem:s16], [sflag:$0x1] =	stream.indirect.gather [hbm4b:s2+s10], $0x20, s15, s10, $0xb8;
	[tilespmem:$0x10800] =	vst v63  }
0x1c: {  	_ = 	snop  }
0x1d: {  	[tilespmem:s18], [sflag:$0x1] =	stream.indirect.gather [hbm4b:s2+s10], $0x20, s17, s10, $0xb8;
	[tilespmem:$0x10800] =	vst v63  }
0x1e: {  	_ = 	snop  }
0x1f: {  	[tilespmem:s20], [sflag:$0x1] =	stream.indirect.gather [hbm4b:s2+s10], $0x20, s19, s10, $0xb8;
	[tilespmem:$0x10800] =	vst v63  }
0x20: {  	_ = 	snop  }
0x21: {  	[tilespmem:s22], [sflag:$0x1] =	stream.indirect.gather [hbm4b:s2+s10], $0x20, s21, s10, $0xb8;
	[tilespmem:$0x10800] =	vst v63  }
0x22: {  	s31 =	smov.u32 s8;
	s0 =	simm.s32 $0x0;
	s1 =	simm.s32 $0x0  }
0x23: {  	[tilespmem:s24], [sflag:$0x1] =	stream.indirect.gather [hbm4b:s2+s10], $0x20, s23, s10, $0xb8;
	[tilespmem:$0x10800] =	vst v63  }
.LBB2_2:
0x24: {  	s11 =	sand.u32 $0x1, s1;
	p0 =	seq.s32 s0, $0x18000  }
0x25: {  	s12 =	sxor.u32 $0x1, s11;
	s13 =	sshrl.u32 @!p0 s31, $0x3  }
0x26: {  	s15 =	simm.s32 @!p0 $0x0;
	s14 =	sshll.u32 @!p0 s12, $0xA;
	s13 =	sadd.s32 @!p0 s4, s13  }
0x27: {  	[tilespmem:s14], [sflag:$0x2] =	stream.linear.gather @!p0 [hbm4b:s13+s15], $0x400, $0x38;
	[tilespmem:$0x10800] =	vst v63  }
0x28: {  	_ =	swait.ge [sflag:s25], $0x8000  }
0x29: {  	p0 =	seq.s32 s0, $0x0;
	[sflag:s25] =	ssyncset.done $0x0  }
0x2a: {  	s13 =	simm.s32 @!p0 $0x3;
	[sflag:s25] =	ssyncadd.s32 $0xFFFF8000  }
0x2b: {  	_ =	swait.ge @!p0 [sflag:s13], $0x2000  }
0x2c: {  	[sflag:s13] =	ssyncset.done @!p0 $0x0  }
0x2d: {  	[sflag:s13] =	ssyncadd.s32 @!p0 $0xFFFFE000  }
0x2e: {  	_ =	swait.ge @!p0 [sflag:s13], $0x2000  }
0x2f: {  	[sflag:s13] =	ssyncset.done @!p0 $0x0  }
0x30: {  	[sflag:s13] =	ssyncadd.s32 @!p0 $0xFFFFE000  }
0x31: {  	_ =	swait.ge @!p0 [sflag:s13], $0x2000  }
0x32: {  	[sflag:s13] =	ssyncset.done @!p0 $0x0  }
0x33: {  	[sflag:s13] =	ssyncadd.s32 @!p0 $0xFFFFE000  }
0x34: {  	_ =	swait.ge @!p0 [sflag:s13], $0x2000  }
0x35: {  	p1 =	seq.s32 @!p0 s0, $0x18000;
	[sflag:s13] =	ssyncset.done @!p0 $0x0  }
0x36: {  	p1 =	por p0, !p1;
	[sflag:s13] =	ssyncadd.s32 @!p0 $0xFFFFE000  }
0x37: {  	_ =	swait.ge @p1 [sflag:s29], $0x400  }
0x38: {  	s13 =	sshll.u32 @p1 s12, $0xF;
	[sflag:s29] =	ssyncset.done @p1 $0x0  }
0x39: {  	s12 =	sshll.u32 @p1 s12, $0xA;
	s14 =	sor.u32 @p1 $0x800, s13;
	[sflag:s29] =	ssyncadd.s32 @p1 $0xFFFFFC00  }
0x3a: {  	[tilespmem:s14], [sflag:$0x1] =	stream.indirect.gather @p1 [hbm4b:s2+s10], $0x20, s12, s10, $0xb8;
	[tilespmem:$0x10800] =	vst v63  }
0x3b: {  	s15 =	sor.u32 @p1 $0x80, s12;
	s14 =	sor.u32 @p1 $0x1800, s13  }
0x3c: {  	[tilespmem:s14], [sflag:$0x1] =	stream.indirect.gather @p1 [hbm4b:s2+s10], $0x20, s15, s10, $0xb8;
	[tilespmem:$0x10800] =	vst v63  }
0x3d: {  	s14 =	sor.u32 @p1 $0x2800, s13;
	s15 =	sor.u32 @p1 $0x100, s12  }
0x3e: {  	[tilespmem:s14], [sflag:$0x1] =	stream.indirect.gather @p1 [hbm4b:s2+s10], $0x20, s15, s10, $0xb8;
	[tilespmem:$0x10800] =	vst v63  }
0x3f: {  	s14 =	sor.u32 @p1 $0x3800, s13;
	s15 =	sor.u32 @p1 $0x180, s12  }
0x40: {  	[tilespmem:s14], [sflag:$0x1] =	stream.indirect.gather @p1 [hbm4b:s2+s10], $0x20, s15, s10, $0xb8;
	[tilespmem:$0x10800] =	vst v63  }
0x41: {  	s14 =	sor.u32 @p1 $0x4800, s13;
	s15 =	sor.u32 @p1 $0x200, s12  }
0x42: {  	[tilespmem:s14], [sflag:$0x1] =	stream.indirect.gather @p1 [hbm4b:s2+s10], $0x20, s15, s10, $0xb8;
	[tilespmem:$0x10800] =	vst v63  }
0x43: {  	s14 =	sor.u32 @p1 $0x5800, s13;
	s15 =	sor.u32 @p1 $0x280, s12  }
0x44: {  	[tilespmem:s14], [sflag:$0x1] =	stream.indirect.gather @p1 [hbm4b:s2+s10], $0x20, s15, s10, $0xb8;
	[tilespmem:$0x10800] =	vst v63  }
0x45: {  	s14 =	sor.u32 @p1 $0x6800, s13;
	s15 =	sor.u32 @p1 $0x300, s12  }
0x46: {  	[tilespmem:s14], [sflag:$0x1] =	stream.indirect.gather @p1 [hbm4b:s2+s10], $0x20, s15, s10, $0xb8;
	[tilespmem:$0x10800] =	vst v63  }
0x47: {  	s11 =	sshll.u32 s11, $0xF;
	s13 =	sor.u32 @p1 $0x7800, s13;
	s12 =	sor.u32 @p1 $0x380, s12  }
0x48: {  	[tilespmem:s13], [sflag:$0x1] =	stream.indirect.gather @p1 [hbm4b:s2+s10], $0x20, s12, s10, $0xb8;
	[tilespmem:$0x10800] =	vst v63  }
0x49: {  	s15 =	sor.u32 $0x800, s11;
	s12 =	sadd.s32 s0, s7;
	s0 =	sadd.s32 $0x1000, s0  }
0x4a: {  	[hbm4b:s12+s26] =	stream.strided.scatter [tilespmem:s15], [sflag:$0x3], $0x2000, s10, s26, $0x38;
	[tilespmem:$0x10800] =	vst v63  }
0x4b: {  	s14 =	sadd.s32 $0x4, s12;
	p0 =	sne.s32 s0, $0x19000;
	s15 =	sor.u32 $0x2800, s11  }
0x4c: {  	[hbm4b:s14+s26] =	stream.strided.scatter [tilespmem:s15], [sflag:$0x3], $0x2000, s10, s26, $0x38;
	[tilespmem:$0x10800] =	vst v63  }
.Ltmp0:
0x4d: {  	_ = 	snop;
	(pc) =	sbr.rel @p0 .LBB2_2-.Ltmp0, $4  }
0x4e: {  	s1 =	sadd.s32 $0x1, s1;
	s14 =	sadd.s32 $0x8, s12;
	s15 =	sor.u32 $0x4800, s11  }
0x4f: {  	[hbm4b:s14+s26] =	stream.strided.scatter [tilespmem:s15], [sflag:$0x3], $0x2000, s10, s26, $0x38;
	[tilespmem:$0x10800] =	vst v63  }
0x50: {  	s31 =	sadd.s32 $0x400, s31;
	s12 =	sadd.s32 $0xC, s12;
	s11 =	sor.u32 $0x6800, s11  }
0x51: {  	[hbm4b:s12+s26] =	stream.strided.scatter [tilespmem:s11], [sflag:$0x3], $0x2000, s10, s26, $0x38;
	[tilespmem:$0x10800] =	vst v63  }
0x52: {  	_ =	swait.ge [sflag:s28], $0x2000  }
0x53: {  	[sflag:s28] =	ssyncset.done $0x0  }
0x54: {  	[sflag:s28] =	ssyncadd.s32 $0xFFFFE000  }
0x55: {  	_ =	swait.ge [sflag:s28], $0x2000  }
0x56: {  	[sflag:s28] =	ssyncset.done $0x0  }
0x57: {  	s30 =	sadd.s32 $0x1, s30;
	[sflag:s28] =	ssyncadd.s32 $0xFFFFE000  }
0x58: {  	p0 =	sne.s32 s30, s6;
	_ =	swait.ge [sflag:s28], $0x2000  }
.Ltmp1:
0x59: {  	[sflag:s28] =	ssyncset.done $0x0;
	(pc) =	sbr.rel @p0 .LBB2_1-.Ltmp1, $4  }
0x5a: {  	[sflag:s28] =	ssyncadd.s32 $0xFFFFE000  }
0x5b: {  	_ =	swait.ge [sflag:s28], $0x2000  }
0x5c: {  	[sflag:s28] =	ssyncset.done $0x0  }
0x5d: {  	[sflag:s28] =	ssyncadd.s32 $0xFFFFE000  }
0x5e: {  	_ =	sfence.sel $0x180000  }
0x5f: {  	[bflag:$0x0] =	sbarrier.arrive $0xFFFF  }
0x60: {  	_ =	strace $0x90000047  }
0x61: {  	s0 =	stileid.u32;
	[bflag:$0x2] =	sbarrier.arrive $0xFFFF  }
0x62: {  	p0 =	sne.s32 s0, $0x0;
	s0 =	rddreg [dreg:$0x2]  }
0x63: {  	s0 =	sadd.s32 @!p0 $0x100000, s0  }
0x64: {  	[sflag:s0] =	ssyncadd.tile.s32 @!p0 $0x1;
	_ =	shalt  }
.Lfunc_end2:
_tile_overlayer_lowered:
.L_overlay_start_2:
0x65: {  	(tag) =	ssettag $0x2  }
0x66: {  	s0 =	rddreg [dreg:$0x0];
	s2 =	stileid.u32  }
0x67: {  	s1 =	rddreg [dreg:$0x1];
	p0 =	sne.s32 s2, $0x0  }
0x68: {  	s3 =	rddreg [dreg:$0x2];
	[bflag:$0x3] =	sbarrier.arrive $0xFFFF;
	s2 =	simm.s32 @!p0 $0x1C04  }
0x69: {  	[timem:s3], [sflag:s2] =	dma.local @!p0 [hbm:s0], s1  }
0x6a: {  	s0 =	simm.s32 @!p0 $0x4  }
0x6b: {  	_ =	swait.ge @!p0 [sflag:s0], s1  }
0x6c: {  	s1 =	ssub.s32 @!p0 $0x0, s1;
	[sflag:s0] =	ssyncset.done @!p0 $0x0  }
0x6d: {  	[sflag:s0] =	ssyncadd.s32 @!p0 s1  }
0x6e: {  	[bflag:$0x3] =	sbarrier.arrive $0xFFFF  }
0x6f: {  	_ =	shalt  }

</sc_bundles>
